<compile_context>
chip_gen: v7x
topology: tpu7x:2x2x1
jax: 0.10.2.dev20260603
libtpu: 0.0.44.dev20260713+nightly
codegen_flags: <defaults>
</compile_context>

<pallas_src>
import functools

import jax
import jax.numpy as jnp
from jax import lax
from jax.experimental import pallas as pl
from jax.experimental.pallas import tpu as pltpu
from jax.experimental.pallas import tpu_sc as plsc

_N = 10000
_E = 320000
_D = 128
_NB = 20
_CUT = 5.0
_NW = 32
_LANES = 16

_mesh = plsc.VectorSubcoreMesh(core_axis_name="c", subcore_axis_name="s")

_ECH = _N // _NW // 8 * 8
_ELAST = _N - (_NW - 1) * _ECH


@functools.partial(
    pl.kernel,
    mesh=_mesh,
    out_type=jax.ShapeDtypeStruct((_N, _D), jnp.float32),
    scratch_types=[
        pltpu.VMEM((_ELAST,), jnp.int32),
        pltpu.VMEM((_ELAST, _D), jnp.float32),
        pltpu.SemaphoreType.DMA,
    ],
)
def _emb_gather(at_no_hbm, table_hbm, out_hbm, idx_v, rows_v, sem):
    wid = lax.axis_index("s") * 2 + lax.axis_index("c")
    base = wid * _ECH

    @pl.when(wid < _NW - 1)
    def _():
        pltpu.sync_copy(at_no_hbm.at[pl.ds(base, _ECH)],
                        idx_v.at[pl.ds(0, _ECH)])
        pltpu.async_copy(table_hbm.at[idx_v.at[pl.ds(0, _ECH)]],
                         rows_v.at[pl.ds(0, _ECH)], sem).wait()
        pltpu.sync_copy(rows_v.at[pl.ds(0, _ECH)],
                        out_hbm.at[pl.ds(base, _ECH)])

    @pl.when(wid == _NW - 1)
    def _():
        pltpu.sync_copy(at_no_hbm.at[pl.ds(base, _ELAST)], idx_v)
        pltpu.async_copy(table_hbm.at[idx_v], rows_v, sem).wait()
        pltpu.sync_copy(rows_v, out_hbm.at[pl.ds(base, _ELAST)])


_CE = 9984
_NTILES = _E // 128
_EXTRA = _NTILES - (_CE // 128) * _NW


@functools.partial(
    pl.kernel,
    mesh=_mesh,
    out_type=(
        jax.ShapeDtypeStruct((1, _E), jnp.float32),
        jax.ShapeDtypeStruct((1, _E), jnp.float32),
        jax.ShapeDtypeStruct((1, _E), jnp.float32),
    ),
    scratch_types=[
        pltpu.VMEM((3 * _N,), jnp.float32),
        pltpu.VMEM((2, _CE), jnp.int32),
        pltpu.VMEM((_CE,), jnp.float32),
        pltpu.VMEM((_CE,), jnp.float32),
        pltpu.VMEM((_CE,), jnp.float32),
        pltpu.SemaphoreType.DMA,
    ],
    compiler_params=pltpu.CompilerParams(needs_layout_passes=False),
)
def _edge_vec(edge_hbm, pos_hbm, vx_hbm, vy_hbm, vz_hbm,
              pos_v, ed_v, vx_v, vy_v, vz_v, sem):
    wid = lax.axis_index("s") * 2 + lax.axis_index("c")
    cp_pos = pltpu.async_copy(pos_hbm, pos_v, sem)

    def gather_range(base, n_groups):
        n = n_groups * _LANES
        pltpu.sync_copy(edge_hbm.at[:, pl.ds(base, n)],
                        ed_v.at[:, pl.ds(0, n)])

        @plsc.parallel_loop(0, n_groups, unroll=8)
        def _loop(i):
            off = i * _LANES
            s = ed_v[0, pl.ds(off, _LANES)]
            d = ed_v[1, pl.ds(off, _LANES)]
            sx = plsc.load_gather(pos_v, [s])
            dx = plsc.load_gather(pos_v, [d])
            sy = plsc.load_gather(pos_v, [s + _N])
            dy = plsc.load_gather(pos_v, [d + _N])
            sz = plsc.load_gather(pos_v, [s + 2 * _N])
            dz = plsc.load_gather(pos_v, [d + 2 * _N])
            vx_v[pl.ds(off, _LANES)] = dx - sx
            vy_v[pl.ds(off, _LANES)] = dy - sy
            vz_v[pl.ds(off, _LANES)] = dz - sz

        cx = pltpu.async_copy(vx_v.at[pl.ds(0, n)],
                              vx_hbm.at[0, pl.ds(base, n)], sem)
        cy = pltpu.async_copy(vy_v.at[pl.ds(0, n)],
                              vy_hbm.at[0, pl.ds(base, n)], sem)
        cz = pltpu.async_copy(vz_v.at[pl.ds(0, n)],
                              vz_hbm.at[0, pl.ds(base, n)], sem)
        return cx, cy, cz

    cp_pos.wait()
    cs = gather_range(wid * _CE, _CE // _LANES)
    for c in cs:
        c.wait()

    @pl.when(wid < _EXTRA)
    def _():
        for c in gather_range(_NW * _CE + wid * 128, 128 // _LANES):
            c.wait()


_ROWS = _E // 128
_B = 25
_G = _ROWS // _B

_SIN_C = (9.9999999948e-01, -1.6666666108e-01, 8.3333236832e-03,
          -1.9840647444e-04, 2.7538255745e-06, -2.4752145009e-08,
          1.3697371161e-10)
_COS_C = (9.9999999992e-01, -4.9999999889e-01, 4.1666664158e-02,
          -1.3888867464e-03, 2.4800691215e-05, -2.7536989152e-07,
          2.0620727662e-09, -9.7749972032e-12)
_PI = 3.14159265358979323846


def _sin_poly(t):
    t2 = t * t
    sp = jnp.float32(_SIN_C[-1])
    for c in _SIN_C[-2::-1]:
        sp = sp * t2 + c
    return sp * t


def _cos_poly(t):
    t2 = t * t
    cq = jnp.float32(_COS_C[-1])
    for c in _COS_C[-2::-1]:
        cq = cq * t2 + c
    return cq


def _reduce(x):
    q = jnp.floor(x * (0.5 / _PI) + 0.5)
    return x - q * (2.0 * _PI)


_BE = 64000


def _tc_body(vx_ref, vy_ref, vz_ref, rbf_ref, fcut_ref, rsh_ref):
    vx = vx_ref[...]
    vy = vy_ref[...]
    vz = vz_ref[...]
    d2 = vx * vx + vy * vy + vz * vz
    d = jnp.sqrt(d2)
    inv = 1.0 / d
    theta = d * (_PI / _CUT)
    nvals = (lax.broadcasted_iota(jnp.int32, (_NB, 1), 0) + 1
             ).astype(jnp.float32)
    args = nvals * theta
    scale_inv = jnp.sqrt(2.0 / _CUT) * inv
    rbf_ref[...] = _sin_poly(_reduce(args)) * scale_inv
    c1 = _cos_poly(_reduce(theta))
    fcut_ref[...] = 0.5 * (c1 + 1.0) * (d < _CUT).astype(jnp.float32)
    rsh_ref[...] = jnp.concatenate(
        [vx * inv, vy * inv, vz * inv], axis=0)


_tc_call = pl.pallas_call(
    _tc_body,
    grid=(_E // _BE,),
    in_specs=[pl.BlockSpec((1, _BE), lambda i: (0, i))] * 3,
    out_specs=[
        pl.BlockSpec((_NB, _BE), lambda i: (0, i)),
        pl.BlockSpec((1, _BE), lambda i: (0, i)),
        pl.BlockSpec((3, _BE), lambda i: (0, i)),
    ],
    out_shape=[
        jax.ShapeDtypeStruct((_NB, _E), jnp.float32),
        jax.ShapeDtypeStruct((1, _E), jnp.float32),
        jax.ShapeDtypeStruct((3, _E), jnp.float32),
    ],
)


def kernel(at_no, pos, edge_index, emb_table):
    at_no = at_no.astype(jnp.int32)
    posf = pos.T.reshape(-1)
    x_scalar = _emb_gather(at_no, emb_table)
    vx, vy, vz = _edge_vec(edge_index.astype(jnp.int32), posf)
    rbf_t, fcut_t, rsh_t = _tc_call(vx, vy, vz)
    return (x_scalar, rbf_t.T, fcut_t.T, rsh_t.T)

# --- scband reference (transcript-rebuilt; emitter-appended) ---
"""Pipeline reference for scband-embedding-76940044140992 (READ-ONLY COPY).

The authoritative reference and input builder live on the scoring server;
editing this copy changes nothing except your own understanding.
"""

import jax, jax.numpy as jnp
import numpy as np

N_NODES = 10000
N_EDGES = 320000
NODE_DIM = 128
NUM_BASIS = 20
CUTOFF = 5.0
VOCAB = 100


def setup_inputs(seed: int = 0) -> dict:
    key = jax.random.key(seed)
    k1, k2, k3, k4, k5 = jax.random.split(key, 5)
    at_no = jax.random.randint(k1, (N_NODES,), 0, VOCAB)
    pos = jax.random.normal(k2, (N_NODES, 3), dtype=jnp.float32) * 3.0
    # edge_index with guaranteed no self-loops (dist > 0, avoids NaN in vec/dist)
    src = jax.random.randint(k3, (N_EDGES,), 0, N_NODES)
    off = jax.random.randint(k4, (N_EDGES,), 1, N_NODES)
    dst = (src + off) % N_NODES
    edge_index = jnp.stack([src, dst], axis=0)
    # learned embedding table (100, node_dim) with padding_idx=0 zeroed
    emb_table = jax.random.normal(k5, (VOCAB, NODE_DIM), dtype=jnp.float32) * 0.1
    emb_table = emb_table.at[0].set(0.0)
    return {"at_no": at_no, "pos": pos, "edge_index": edge_index, "emb_table": emb_table}


def reference(at_no, pos, edge_index, emb_table):
    # gather endpoint positions per edge
    vec = pos[edge_index[1]] - pos[edge_index[0]]
    dist = jnp.linalg.norm(vec, axis=-1, keepdims=True)  # [E, 1]
    # embedding lookup (padding_idx=0 handled by zeroed row in table)
    x_scalar = jnp.take(emb_table, at_no, axis=0)  # [N, node_dim]
    # Bessel radial basis: sqrt(2/c) * sin(n*pi*d/c) / d, n = 1..num_basis
    n = jnp.arange(1, NUM_BASIS + 1, dtype=jnp.float32)  # [num_basis]
    rbf = jnp.sqrt(2.0 / CUTOFF) * jnp.sin(n * jnp.pi * dist / CUTOFF) / dist  # [E, num_basis]
    # cosine cutoff
    fcut = 0.5 * (jnp.cos(jnp.pi * dist / CUTOFF) + 1.0) * (dist < CUTOFF).astype(dist.dtype)  # [E, 1]
    # unit direction vectors (real spherical harmonics l=1 input)
    rsh = vec / dist  # [E, 3]
    return (x_scalar, rbf, fcut, rsh)

if __name__ == "__main__":
    import jax
    _d = setup_inputs()
    print(jax.jit(kernel)(*tuple(_d.values())))

</pallas_src>

<mosaic_0001>
#map = affine_map<(d0, d1) -> (0, 0)>
#map1 = affine_map<(d0, d1) -> (0)>
module attributes {stable_mosaic.version = 14 : i64} {
  func.func @_edge_vec(%arg0: i32, %arg1: i32, %arg2: memref<2x320000xi32, #tpu.memory_space<hbm>>, %arg3: memref<30000xf32, #tpu.memory_space<hbm>>, %arg4: memref<1x320000xf32, #tpu.memory_space<hbm>>, %arg5: memref<1x320000xf32, #tpu.memory_space<hbm>>, %arg6: memref<1x320000xf32, #tpu.memory_space<hbm>>, %arg7: memref<30000xf32, #tpu.memory_space<vmem>>, %arg8: memref<2x9984xi32, #tpu.memory_space<vmem>>, %arg9: memref<9984xf32, #tpu.memory_space<vmem>>, %arg10: memref<9984xf32, #tpu.memory_space<vmem>>, %arg11: memref<9984xf32, #tpu.memory_space<vmem>>, %arg12: memref<!tpu.dma_semaphore, #tpu.memory_space<semaphore_mem>>) attributes {dimension_semantics = [#tpu.dimension_semantics<core_parallel>, #tpu.dimension_semantics<subcore_parallel>], iteration_bounds = array<i64: 2, 16>, scalar_prefetch = 0 : i64, scratch_operands = 6 : i64, tpu.core_type = #tpu.core_type<sc_vector_subcore>, window_params = [{transform_indices = #map}, {transform_indices = #map1}, {transform_indices = #map}, {transform_indices = #map}, {transform_indices = #map}]} {
    %mul3A = arith.constant 2 : i32
    %mul3A_0 = arith.muli %arg1, %mul3A : i32
    %add3A = arith.addi %mul3A_0, %arg0 : i32
    tpu.enqueue_dma source(%arg3 : memref<30000xf32, #tpu.memory_space<hbm>>) target(%arg7 : memref<30000xf32, #tpu.memory_space<vmem>>) target_semaphore(%arg12 : memref<!tpu.dma_semaphore, #tpu.memory_space<semaphore_mem>>)
    tpu.wait_dma2 semaphore(%arg12 : memref<!tpu.dma_semaphore, #tpu.memory_space<semaphore_mem>>) src(%arg3 : memref<30000xf32, #tpu.memory_space<hbm>>) dst(%arg7 : memref<30000xf32, #tpu.memory_space<vmem>>)
    %mul3A_1 = arith.constant 9984 : i32
    %mul3A_2 = arith.muli %add3A, %mul3A_1 : i32
    "tpu.region"() ({
      %run_scoped3A = tpu.sem_alloc : memref<!tpu.dma_semaphore, #tpu.memory_space<semaphore_mem>>
      %dma_start3A_59 = arith.constant 0 : i32
      %dma_start3A_60 = arith.constant 0 : i32
      %dma_start3A_61 = tpu.memref_slice %arg8[%dma_start3A_59, %dma_start3A_60] : memref<2x9984xi32, #tpu.memory_space<vmem>> -> memref<2x9984xi32, #tpu.memory_space<vmem>>
      %dma_start3A_62 = arith.constant 0 : i32
      %dma_start3A_63 = tpu.memref_slice %arg2[%dma_start3A_62, %mul3A_2] : memref<2x320000xi32, #tpu.memory_space<hbm>> -> memref<2x9984xi32, #tpu.memory_space<hbm>>
      %dma_start3A_64 = arith.constant 0 : i32
      %dma_start3A_65 = arith.constant 0 : i32
      %dma_start3A_66 = tpu.memref_slice %arg8[%dma_start3A_64, %dma_start3A_65] : memref<2x9984xi32, #tpu.memory_space<vmem>> -> memref<2x9984xi32, #tpu.memory_space<vmem>>
      %dma_start3A_67 = arith.constant 0 : i32
      %dma_start3A_68 = tpu.memref_slice %arg2[%dma_start3A_67, %mul3A_2] : memref<2x320000xi32, #tpu.memory_space<hbm>> -> memref<2x9984xi32, #tpu.memory_space<hbm>>
      tpu.enqueue_dma source(%dma_start3A_68 : memref<2x9984xi32, #tpu.memory_space<hbm>>) target(%dma_start3A_66 : memref<2x9984xi32, #tpu.memory_space<vmem>>) target_semaphore(%run_scoped3A : memref<!tpu.dma_semaphore, #tpu.memory_space<semaphore_mem>>)
      %dma_wait3A_69 = arith.constant 0 : i32
      %dma_wait3A_70 = arith.constant 0 : i32
      %dma_wait3A_71 = tpu.memref_slice %arg8[%dma_wait3A_69, %dma_wait3A_70] : memref<2x9984xi32, #tpu.memory_space<vmem>> -> memref<2x9984xi32, #tpu.memory_space<vmem>>
      %dma_wait3A_72 = arith.constant 0 : i32
      %dma_wait3A_73 = tpu.memref_slice %arg2[%dma_wait3A_72, %mul3A_2] : memref<2x320000xi32, #tpu.memory_space<hbm>> -> memref<2x9984xi32, #tpu.memory_space<hbm>>
      %dma_wait3A_74 = arith.constant 0 : i32
      %dma_wait3A_75 = arith.constant 0 : i32
      %dma_wait3A_76 = tpu.memref_slice %arg8[%dma_wait3A_74, %dma_wait3A_75] : memref<2x9984xi32, #tpu.memory_space<vmem>> -> memref<2x9984xi32, #tpu.memory_space<vmem>>
      %dma_wait3A_77 = arith.constant 0 : i32
      %dma_wait3A_78 = tpu.memref_slice %arg2[%dma_wait3A_77, %mul3A_2] : memref<2x320000xi32, #tpu.memory_space<hbm>> -> memref<2x9984xi32, #tpu.memory_space<hbm>>
      tpu.wait_dma2 semaphore(%run_scoped3A : memref<!tpu.dma_semaphore, #tpu.memory_space<semaphore_mem>>) src(%dma_wait3A_78 : memref<2x9984xi32, #tpu.memory_space<hbm>>) dst(%dma_wait3A_76 : memref<2x9984xi32, #tpu.memory_space<vmem>>)
      tpu.yield
    }) : () -> ()
    %parallel_loop3A = arith.constant 0 : i32
    %parallel_loop3A_3 = arith.constant 624 : i32
    %parallel_loop3A_4 = arith.constant 1 : i32
    scf.for %parallel_loop3A_59 = %parallel_loop3A to %parallel_loop3A_3 step %parallel_loop3A_4  : i32 {
      %parallel_loop3A_60 = arith.constant 16 : i32
      %parallel_loop3A_61 = arith.muli %parallel_loop3A_59, %parallel_loop3A_60 : i32
      %parallel_loop3A_62 = arith.constant 0 : i32
      %parallel_loop3A_63 = arith.index_cast %parallel_loop3A_62 : i32 to index
      %parallel_loop3A_64 = arith.index_cast %parallel_loop3A_61 : i32 to index
      %parallel_loop3A_65 = tpu.vector_load %arg8[%parallel_loop3A_63, %parallel_loop3A_64] {strides = array<i32>} : memref<2x9984xi32, #tpu.memory_space<vmem>>, vector<16xi32>,
      %parallel_loop3A_66 = arith.constant 1 : i32
      %parallel_loop3A_67 = arith.index_cast %parallel_loop3A_66 : i32 to index
      %parallel_loop3A_68 = arith.index_cast %parallel_loop3A_61 : i32 to index
      %parallel_loop3A_69 = tpu.vector_load %arg8[%parallel_loop3A_67, %parallel_loop3A_68] {strides = array<i32>} : memref<2x9984xi32, #tpu.memory_space<vmem>>, vector<16xi32>,
      %parallel_loop3A_70 = tpu.vector_load_idx %arg7[%parallel_loop3A_65] : memref<30000xf32, #tpu.memory_space<vmem>>[vector<16xi32>], vector<16xf32>,
      %parallel_loop3A_71 = tpu.vector_load_idx %arg7[%parallel_loop3A_69] : memref<30000xf32, #tpu.memory_space<vmem>>[vector<16xi32>], vector<16xf32>,
      %parallel_loop3A_72 = arith.constant 10000 : i32
      %parallel_loop3A_73 = vector.broadcast %parallel_loop3A_72 : i32 to vector<16xi32>
      %parallel_loop3A_74 = arith.addi %parallel_loop3A_65, %parallel_loop3A_73 : vector<16xi32>
      %parallel_loop3A_75 = tpu.vector_load_idx %arg7[%parallel_loop3A_74] : memref<30000xf32, #tpu.memory_space<vmem>>[vector<16xi32>], vector<16xf32>,
      %parallel_loop3A_76 = arith.constant 10000 : i32
      %parallel_loop3A_77 = vector.broadcast %parallel_loop3A_76 : i32 to vector<16xi32>
      %parallel_loop3A_78 = arith.addi %parallel_loop3A_69, %parallel_loop3A_77 : vector<16xi32>
      %parallel_loop3A_79 = tpu.vector_load_idx %arg7[%parallel_loop3A_78] : memref<30000xf32, #tpu.memory_space<vmem>>[vector<16xi32>], vector<16xf32>,
      %parallel_loop3A_80 = arith.constant 20000 : i32
      %parallel_loop3A_81 = vector.broadcast %parallel_loop3A_80 : i32 to vector<16xi32>
      %parallel_loop3A_82 = arith.addi %parallel_loop3A_65, %parallel_loop3A_81 : vector<16xi32>
      %parallel_loop3A_83 = tpu.vector_load_idx %arg7[%parallel_loop3A_82] : memref<30000xf32, #tpu.memory_space<vmem>>[vector<16xi32>], vector<16xf32>,
      %parallel_loop3A_84 = arith.constant 20000 : i32
      %parallel_loop3A_85 = vector.broadcast %parallel_loop3A_84 : i32 to vector<16xi32>
      %parallel_loop3A_86 = arith.addi %parallel_loop3A_69, %parallel_loop3A_85 : vector<16xi32>
      %parallel_loop3A_87 = tpu.vector_load_idx %arg7[%parallel_loop3A_86] : memref<30000xf32, #tpu.memory_space<vmem>>[vector<16xi32>], vector<16xf32>,
      %parallel_loop3A_88 = arith.subf %parallel_loop3A_71, %parallel_loop3A_70 : vector<16xf32>
      %parallel_loop3A_89 = arith.index_cast %parallel_loop3A_61 : i32 to index
      %parallel_loop3A_90 = tpu.vector_load %arg9[%parallel_loop3A_89] {strides = array<i32>} : memref<9984xf32, #tpu.memory_space<vmem>>, vector<16xf32>,
      tpu.vector_store %arg9[%parallel_loop3A_89], %parallel_loop3A_88 {strides = array<i32>} : memref<9984xf32, #tpu.memory_space<vmem>>, vector<16xf32>,
      %parallel_loop3A_91 = arith.subf %parallel_loop3A_79, %parallel_loop3A_75 : vector<16xf32>
      %parallel_loop3A_92 = arith.index_cast %parallel_loop3A_61 : i32 to index
      %parallel_loop3A_93 = tpu.vector_load %arg10[%parallel_loop3A_92] {strides = array<i32>} : memref<9984xf32, #tpu.memory_space<vmem>>, vector<16xf32>,
      tpu.vector_store %arg10[%parallel_loop3A_92], %parallel_loop3A_91 {strides = array<i32>} : memref<9984xf32, #tpu.memory_space<vmem>>, vector<16xf32>,
      %parallel_loop3A_94 = arith.subf %parallel_loop3A_87, %parallel_loop3A_83 : vector<16xf32>
      %parallel_loop3A_95 = arith.index_cast %parallel_loop3A_61 : i32 to index
      %parallel_loop3A_96 = tpu.vector_load %arg11[%parallel_loop3A_95] {strides = array<i32>} : memref<9984xf32, #tpu.memory_space<vmem>>, vector<16xf32>,
      tpu.vector_store %arg11[%parallel_loop3A_95], %parallel_loop3A_94 {strides = array<i32>} : memref<9984xf32, #tpu.memory_space<vmem>>, vector<16xf32>,
    } {sc.loop_unroll_factor = 8 : i64, sc.parallel_access}
    %dma_start3A = arith.constant 0 : i32
    %dma_start3A_5 = arith.constant 0 : i32
    %dma_start3A_6 = tpu.memref_slice %arg9[%dma_start3A_5] : memref<9984xf32, #tpu.memory_space<vmem>> -> memref<9984xf32, #tpu.memory_space<vmem>>
    %dma_start3A_7 = tpu.memref_slice %arg4[%dma_start3A, %mul3A_2] : memref<1x320000xf32, #tpu.memory_space<hbm>> -> memref<1x9984xf32, #tpu.memory_space<hbm>>
    %dma_start3A_8 = tpu.memref_squeeze %dma_start3A_7 : memref<1x9984xf32, #tpu.memory_space<hbm>> -> memref<9984xf32, #tpu.memory_space<hbm>>
    %dma_start3A_9 = tpu.memref_slice %arg4[%dma_start3A, %mul3A_2] : memref<1x320000xf32, #tpu.memory_space<hbm>> -> memref<1x9984xf32, #tpu.memory_space<hbm>>
    %dma_start3A_10 = tpu.memref_squeeze %dma_start3A_9 : memref<1x9984xf32, #tpu.memory_space<hbm>> -> memref<9984xf32, #tpu.memory_space<hbm>>
    %dma_start3A_11 = arith.constant 0 : i32
    %dma_start3A_12 = tpu.memref_slice %arg9[%dma_start3A_11] : memref<9984xf32, #tpu.memory_space<vmem>> -> memref<9984xf32, #tpu.memory_space<vmem>>
    tpu.enqueue_dma source(%dma_start3A_12 : memref<9984xf32, #tpu.memory_space<vmem>>) target(%dma_start3A_10 : memref<9984xf32, #tpu.memory_space<hbm>>) target_semaphore(%arg12 : memref<!tpu.dma_semaphore, #tpu.memory_space<semaphore_mem>>)
    %dma_start3A_13 = arith.constant 0 : i32
    %dma_start3A_14 = arith.constant 0 : i32
    %dma_start3A_15 = tpu.memref_slice %arg10[%dma_start3A_14] : memref<9984xf32, #tpu.memory_space<vmem>> -> memref<9984xf32, #tpu.memory_space<vmem>>
    %dma_start3A_16 = tpu.memref_slice %arg5[%dma_start3A_13, %mul3A_2] : memref<1x320000xf32, #tpu.memory_space<hbm>> -> memref<1x9984xf32, #tpu.memory_space<hbm>>
    %dma_start3A_17 = tpu.memref_squeeze %dma_start3A_16 : memref<1x9984xf32, #tpu.memory_space<hbm>> -> memref<9984xf32, #tpu.memory_space<hbm>>
    %dma_start3A_18 = tpu.memref_slice %arg5[%dma_start3A_13, %mul3A_2] : memref<1x320000xf32, #tpu.memory_space<hbm>> -> memref<1x9984xf32, #tpu.memory_space<hbm>>
    %dma_start3A_19 = tpu.memref_squeeze %dma_start3A_18 : memref<1x9984xf32, #tpu.memory_space<hbm>> -> memref<9984xf32, #tpu.memory_space<hbm>>
    %dma_start3A_20 = arith.constant 0 : i32
    %dma_start3A_21 = tpu.memref_slice %arg10[%dma_start3A_20] : memref<9984xf32, #tpu.memory_space<vmem>> -> memref<9984xf32, #tpu.memory_space<vmem>>
    tpu.enqueue_dma source(%dma_start3A_21 : memref<9984xf32, #tpu.memory_space<vmem>>) target(%dma_start3A_19 : memref<9984xf32, #tpu.memory_space<hbm>>) target_semaphore(%arg12 : memref<!tpu.dma_semaphore, #tpu.memory_space<semaphore_mem>>)
    %dma_start3A_22 = arith.constant 0 : i32
    %dma_start3A_23 = arith.constant 0 : i32
    %dma_start3A_24 = tpu.memref_slice %arg11[%dma_start3A_23] : memref<9984xf32, #tpu.memory_space<vmem>> -> memref<9984xf32, #tpu.memory_space<vmem>>
    %dma_start3A_25 = tpu.memref_slice %arg6[%dma_start3A_22, %mul3A_2] : memref<1x320000xf32, #tpu.memory_space<hbm>> -> memref<1x9984xf32, #tpu.memory_space<hbm>>
    %dma_start3A_26 = tpu.memref_squeeze %dma_start3A_25 : memref<1x9984xf32, #tpu.memory_space<hbm>> -> memref<9984xf32, #tpu.memory_space<hbm>>
    %dma_start3A_27 = tpu.memref_slice %arg6[%dma_start3A_22, %mul3A_2] : memref<1x320000xf32, #tpu.memory_space<hbm>> -> memref<1x9984xf32, #tpu.memory_space<hbm>>
    %dma_start3A_28 = tpu.memref_squeeze %dma_start3A_27 : memref<1x9984xf32, #tpu.memory_space<hbm>> -> memref<9984xf32, #tpu.memory_space<hbm>>
    %dma_start3A_29 = arith.constant 0 : i32
    %dma_start3A_30 = tpu.memref_slice %arg11[%dma_start3A_29] : memref<9984xf32, #tpu.memory_space<vmem>> -> memref<9984xf32, #tpu.memory_space<vmem>>
    tpu.enqueue_dma source(%dma_start3A_30 : memref<9984xf32, #tpu.memory_space<vmem>>) target(%dma_start3A_28 : memref<9984xf32, #tpu.memory_space<hbm>>) target_semaphore(%arg12 : memref<!tpu.dma_semaphore, #tpu.memory_space<semaphore_mem>>)
    %dma_wait3A = arith.constant 0 : i32
    %dma_wait3A_31 = arith.constant 0 : i32
    %dma_wait3A_32 = tpu.memref_slice %arg9[%dma_wait3A_31] : memref<9984xf32, #tpu.memory_space<vmem>> -> memref<9984xf32, #tpu.memory_space<vmem>>
    %dma_wait3A_33 = tpu.memref_slice %arg4[%dma_wait3A, %mul3A_2] : memref<1x320000xf32, #tpu.memory_space<hbm>> -> memref<1x9984xf32, #tpu.memory_space<hbm>>
    %dma_wait3A_34 = tpu.memref_squeeze %dma_wait3A_33 : memref<1x9984xf32, #tpu.memory_space<hbm>> -> memref<9984xf32, #tpu.memory_space<hbm>>
    %dma_wait3A_35 = tpu.memref_slice %arg4[%dma_wait3A, %mul3A_2] : memref<1x320000xf32, #tpu.memory_space<hbm>> -> memref<1x9984xf32, #tpu.memory_space<hbm>>
    %dma_wait3A_36 = tpu.memref_squeeze %dma_wait3A_35 : memref<1x9984xf32, #tpu.memory_space<hbm>> -> memref<9984xf32, #tpu.memory_space<hbm>>
    %dma_wait3A_37 = arith.constant 0 : i32
    %dma_wait3A_38 = tpu.memref_slice %arg9[%dma_wait3A_37] : memref<9984xf32, #tpu.memory_space<vmem>> -> memref<9984xf32, #tpu.memory_space<vmem>>
    tpu.wait_dma2 semaphore(%arg12 : memref<!tpu.dma_semaphore, #tpu.memory_space<semaphore_mem>>) src(%dma_wait3A_38 : memref<9984xf32, #tpu.memory_space<vmem>>) dst(%dma_wait3A_36 : memref<9984xf32, #tpu.memory_space<hbm>>)
    %dma_wait3A_39 = arith.constant 0 : i32
    %dma_wait3A_40 = arith.constant 0 : i32
    %dma_wait3A_41 = tpu.memref_slice %arg10[%dma_wait3A_40] : memref<9984xf32, #tpu.memory_space<vmem>> -> memref<9984xf32, #tpu.memory_space<vmem>>
    %dma_wait3A_42 = tpu.memref_slice %arg5[%dma_wait3A_39, %mul3A_2] : memref<1x320000xf32, #tpu.memory_space<hbm>> -> memref<1x9984xf32, #tpu.memory_space<hbm>>
    %dma_wait3A_43 = tpu.memref_squeeze %dma_wait3A_42 : memref<1x9984xf32, #tpu.memory_space<hbm>> -> memref<9984xf32, #tpu.memory_space<hbm>>
    %dma_wait3A_44 = tpu.memref_slice %arg5[%dma_wait3A_39, %mul3A_2] : memref<1x320000xf32, #tpu.memory_space<hbm>> -> memref<1x9984xf32, #tpu.memory_space<hbm>>
    %dma_wait3A_45 = tpu.memref_squeeze %dma_wait3A_44 : memref<1x9984xf32, #tpu.memory_space<hbm>> -> memref<9984xf32, #tpu.memory_space<hbm>>
    %dma_wait3A_46 = arith.constant 0 : i32
    %dma_wait3A_47 = tpu.memref_slice %arg10[%dma_wait3A_46] : memref<9984xf32, #tpu.memory_space<vmem>> -> memref<9984xf32, #tpu.memory_space<vmem>>
    tpu.wait_dma2 semaphore(%arg12 : memref<!tpu.dma_semaphore, #tpu.memory_space<semaphore_mem>>) src(%dma_wait3A_47 : memref<9984xf32, #tpu.memory_space<vmem>>) dst(%dma_wait3A_45 : memref<9984xf32, #tpu.memory_space<hbm>>)
    %dma_wait3A_48 = arith.constant 0 : i32
    %dma_wait3A_49 = arith.constant 0 : i32
    %dma_wait3A_50 = tpu.memref_slice %arg11[%dma_wait3A_49] : memref<9984xf32, #tpu.memory_space<vmem>> -> memref<9984xf32, #tpu.memory_space<vmem>>
    %dma_wait3A_51 = tpu.memref_slice %arg6[%dma_wait3A_48, %mul3A_2] : memref<1x320000xf32, #tpu.memory_space<hbm>> -> memref<1x9984xf32, #tpu.memory_space<hbm>>
    %dma_wait3A_52 = tpu.memref_squeeze %dma_wait3A_51 : memref<1x9984xf32, #tpu.memory_space<hbm>> -> memref<9984xf32, #tpu.memory_space<hbm>>
    %dma_wait3A_53 = tpu.memref_slice %arg6[%dma_wait3A_48, %mul3A_2] : memref<1x320000xf32, #tpu.memory_space<hbm>> -> memref<1x9984xf32, #tpu.memory_space<hbm>>
    %dma_wait3A_54 = tpu.memref_squeeze %dma_wait3A_53 : memref<1x9984xf32, #tpu.memory_space<hbm>> -> memref<9984xf32, #tpu.memory_space<hbm>>
    %dma_wait3A_55 = arith.constant 0 : i32
    %dma_wait3A_56 = tpu.memref_slice %arg11[%dma_wait3A_55] : memref<9984xf32, #tpu.memory_space<vmem>> -> memref<9984xf32, #tpu.memory_space<vmem>>
    tpu.wait_dma2 semaphore(%arg12 : memref<!tpu.dma_semaphore, #tpu.memory_space<semaphore_mem>>) src(%dma_wait3A_56 : memref<9984xf32, #tpu.memory_space<vmem>>) dst(%dma_wait3A_54 : memref<9984xf32, #tpu.memory_space<hbm>>)
    %lt3A = arith.constant 4 : i32
    %lt3A_57 = arith.cmpi slt, %add3A, %lt3A : i32
    %convert_element_type3A = arith.extui %lt3A_57 : i1 to i32
    %cond3A = arith.constant 0 : i32
    %cond3A_58 = arith.cmpi ne, %convert_element_type3A, %cond3A : i32
    scf.if %cond3A_58 {
      %mul3A_59 = arith.constant 128 : i32
      %mul3A_60 = arith.muli %add3A, %mul3A_59 : i32
      %add3A_61 = arith.constant 319488 : i32
      %add3A_62 = arith.addi %add3A_61, %mul3A_60 : i32
      "tpu.region"() ({
        %run_scoped3A = tpu.sem_alloc : memref<!tpu.dma_semaphore, #tpu.memory_space<semaphore_mem>>
        %dma_start3A_120 = arith.constant 0 : i32
        %dma_start3A_121 = arith.constant 0 : i32
        %dma_start3A_122 = tpu.memref_slice %arg8[%dma_start3A_120, %dma_start3A_121] : memref<2x9984xi32, #tpu.memory_space<vmem>> -> memref<2x128xi32, #tpu.memory_space<vmem>>
        %dma_start3A_123 = arith.constant 0 : i32
        %dma_start3A_124 = tpu.memref_slice %arg2[%dma_start3A_123, %add3A_62] : memref<2x320000xi32, #tpu.memory_space<hbm>> -> memref<2x128xi32, #tpu.memory_space<hbm>>
        %dma_start3A_125 = arith.constant 0 : i32
        %dma_start3A_126 = arith.constant 0 : i32
        %dma_start3A_127 = tpu.memref_slice %arg8[%dma_start3A_125, %dma_start3A_126] : memref<2x9984xi32, #tpu.memory_space<vmem>> -> memref<2x128xi32, #tpu.memory_space<vmem>>
        %dma_start3A_128 = arith.constant 0 : i32
        %dma_start3A_129 = tpu.memref_slice %arg2[%dma_start3A_128, %add3A_62] : memref<2x320000xi32, #tpu.memory_space<hbm>> -> memref<2x128xi32, #tpu.memory_space<hbm>>
        tpu.enqueue_dma source(%dma_start3A_129 : memref<2x128xi32, #tpu.memory_space<hbm>>) target(%dma_start3A_127 : memref<2x128xi32, #tpu.memory_space<vmem>>) target_semaphore(%run_scoped3A : memref<!tpu.dma_semaphore, #tpu.memory_space<semaphore_mem>>)
        %dma_wait3A_130 = arith.constant 0 : i32
        %dma_wait3A_131 = arith.constant 0 : i32
        %dma_wait3A_132 = tpu.memref_slice %arg8[%dma_wait3A_130, %dma_wait3A_131] : memref<2x9984xi32, #tpu.memory_space<vmem>> -> memref<2x128xi32, #tpu.memory_space<vmem>>
        %dma_wait3A_133 = arith.constant 0 : i32
        %dma_wait3A_134 = tpu.memref_slice %arg2[%dma_wait3A_133, %add3A_62] : memref<2x320000xi32, #tpu.memory_space<hbm>> -> memref<2x128xi32, #tpu.memory_space<hbm>>
        %dma_wait3A_135 = arith.constant 0 : i32
        %dma_wait3A_136 = arith.constant 0 : i32
        %dma_wait3A_137 = tpu.memref_slice %arg8[%dma_wait3A_135, %dma_wait3A_136] : memref<2x9984xi32, #tpu.memory_space<vmem>> -> memref<2x128xi32, #tpu.memory_space<vmem>>
        %dma_wait3A_138 = arith.constant 0 : i32
        %dma_wait3A_139 = tpu.memref_slice %arg2[%dma_wait3A_138, %add3A_62] : memref<2x320000xi32, #tpu.memory_space<hbm>> -> memref<2x128xi32, #tpu.memory_space<hbm>>
        tpu.wait_dma2 semaphore(%run_scoped3A : memref<!tpu.dma_semaphore, #tpu.memory_space<semaphore_mem>>) src(%dma_wait3A_139 : memref<2x128xi32, #tpu.memory_space<hbm>>) dst(%dma_wait3A_137 : memref<2x128xi32, #tpu.memory_space<vmem>>)
        tpu.yield
      }) : () -> ()
      %parallel_loop3A_63 = arith.constant 0 : i32
      %parallel_loop3A_64 = arith.constant 8 : i32
      %parallel_loop3A_65 = arith.constant 1 : i32
      scf.for %parallel_loop3A_120 = %parallel_loop3A_63 to %parallel_loop3A_64 step %parallel_loop3A_65  : i32 {
        %parallel_loop3A_121 = arith.constant 16 : i32
        %parallel_loop3A_122 = arith.muli %parallel_loop3A_120, %parallel_loop3A_121 : i32
        %parallel_loop3A_123 = arith.constant 0 : i32
        %parallel_loop3A_124 = arith.index_cast %parallel_loop3A_123 : i32 to index
        %parallel_loop3A_125 = arith.index_cast %parallel_loop3A_122 : i32 to index
        %parallel_loop3A_126 = tpu.vector_load %arg8[%parallel_loop3A_124, %parallel_loop3A_125] {strides = array<i32>} : memref<2x9984xi32, #tpu.memory_space<vmem>>, vector<16xi32>,
        %parallel_loop3A_127 = arith.constant 1 : i32
        %parallel_loop3A_128 = arith.index_cast %parallel_loop3A_127 : i32 to index
        %parallel_loop3A_129 = arith.index_cast %parallel_loop3A_122 : i32 to index
        %parallel_loop3A_130 = tpu.vector_load %arg8[%parallel_loop3A_128, %parallel_loop3A_129] {strides = array<i32>} : memref<2x9984xi32, #tpu.memory_space<vmem>>, vector<16xi32>,
        %parallel_loop3A_131 = tpu.vector_load_idx %arg7[%parallel_loop3A_126] : memref<30000xf32, #tpu.memory_space<vmem>>[vector<16xi32>], vector<16xf32>,
        %parallel_loop3A_132 = tpu.vector_load_idx %arg7[%parallel_loop3A_130] : memref<30000xf32, #tpu.memory_space<vmem>>[vector<16xi32>], vector<16xf32>,
        %parallel_loop3A_133 = arith.constant 10000 : i32
        %parallel_loop3A_134 = vector.broadcast %parallel_loop3A_133 : i32 to vector<16xi32>
        %parallel_loop3A_135 = arith.addi %parallel_loop3A_126, %parallel_loop3A_134 : vector<16xi32>
        %parallel_loop3A_136 = tpu.vector_load_idx %arg7[%parallel_loop3A_135] : memref<30000xf32, #tpu.memory_space<vmem>>[vector<16xi32>], vector<16xf32>,
        %parallel_loop3A_137 = arith.constant 10000 : i32
        %parallel_loop3A_138 = vector.broadcast %parallel_loop3A_137 : i32 to vector<16xi32>
        %parallel_loop3A_139 = arith.addi %parallel_loop3A_130, %parallel_loop3A_138 : vector<16xi32>
        %parallel_loop3A_140 = tpu.vector_load_idx %arg7[%parallel_loop3A_139] : memref<30000xf32, #tpu.memory_space<vmem>>[vector<16xi32>], vector<16xf32>,
        %parallel_loop3A_141 = arith.constant 20000 : i32
        %parallel_loop3A_142 = vector.broadcast %parallel_loop3A_141 : i32 to vector<16xi32>
        %parallel_loop3A_143 = arith.addi %parallel_loop3A_126, %parallel_loop3A_142 : vector<16xi32>
        %parallel_loop3A_144 = tpu.vector_load_idx %arg7[%parallel_loop3A_143] : memref<30000xf32, #tpu.memory_space<vmem>>[vector<16xi32>], vector<16xf32>,
        %parallel_loop3A_145 = arith.constant 20000 : i32
        %parallel_loop3A_146 = vector.broadcast %parallel_loop3A_145 : i32 to vector<16xi32>
        %parallel_loop3A_147 = arith.addi %parallel_loop3A_130, %parallel_loop3A_146 : vector<16xi32>
        %parallel_loop3A_148 = tpu.vector_load_idx %arg7[%parallel_loop3A_147] : memref<30000xf32, #tpu.memory_space<vmem>>[vector<16xi32>], vector<16xf32>,
        %parallel_loop3A_149 = arith.subf %parallel_loop3A_132, %parallel_loop3A_131 : vector<16xf32>
        %parallel_loop3A_150 = arith.index_cast %parallel_loop3A_122 : i32 to index
        %parallel_loop3A_151 = tpu.vector_load %arg9[%parallel_loop3A_150] {strides = array<i32>} : memref<9984xf32, #tpu.memory_space<vmem>>, vector<16xf32>,
        tpu.vector_store %arg9[%parallel_loop3A_150], %parallel_loop3A_149 {strides = array<i32>} : memref<9984xf32, #tpu.memory_space<vmem>>, vector<16xf32>,
        %parallel_loop3A_152 = arith.subf %parallel_loop3A_140, %parallel_loop3A_136 : vector<16xf32>
        %parallel_loop3A_153 = arith.index_cast %parallel_loop3A_122 : i32 to index
        %parallel_loop3A_154 = tpu.vector_load %arg10[%parallel_loop3A_153] {strides = array<i32>} : memref<9984xf32, #tpu.memory_space<vmem>>, vector<16xf32>,
        tpu.vector_store %arg10[%parallel_loop3A_153], %parallel_loop3A_152 {strides = array<i32>} : memref<9984xf32, #tpu.memory_space<vmem>>, vector<16xf32>,
        %parallel_loop3A_155 = arith.subf %parallel_loop3A_148, %parallel_loop3A_144 : vector<16xf32>
        %parallel_loop3A_156 = arith.index_cast %parallel_loop3A_122 : i32 to index
        %parallel_loop3A_157 = tpu.vector_load %arg11[%parallel_loop3A_156] {strides = array<i32>} : memref<9984xf32, #tpu.memory_space<vmem>>, vector<16xf32>,
        tpu.vector_store %arg11[%parallel_loop3A_156], %parallel_loop3A_155 {strides = array<i32>} : memref<9984xf32, #tpu.memory_space<vmem>>, vector<16xf32>,
      } {sc.loop_unroll_factor = 8 : i64, sc.parallel_access}
      %dma_start3A_66 = arith.constant 0 : i32
      %dma_start3A_67 = arith.constant 0 : i32
      %dma_start3A_68 = tpu.memref_slice %arg9[%dma_start3A_67] : memref<9984xf32, #tpu.memory_space<vmem>> -> memref<128xf32, #tpu.memory_space<vmem>>
      %dma_start3A_69 = tpu.memref_slice %arg4[%dma_start3A_66, %add3A_62] : memref<1x320000xf32, #tpu.memory_space<hbm>> -> memref<1x128xf32, #tpu.memory_space<hbm>>
      %dma_start3A_70 = tpu.memref_squeeze %dma_start3A_69 : memref<1x128xf32, #tpu.memory_space<hbm>> -> memref<128xf32, #tpu.memory_space<hbm>>
      %dma_start3A_71 = tpu.memref_slice %arg4[%dma_start3A_66, %add3A_62] : memref<1x320000xf32, #tpu.memory_space<hbm>> -> memref<1x128xf32, #tpu.memory_space<hbm>>
      %dma_start3A_72 = tpu.memref_squeeze %dma_start3A_71 : memref<1x128xf32, #tpu.memory_space<hbm>> -> memref<128xf32, #tpu.memory_space<hbm>>
      %dma_start3A_73 = arith.constant 0 : i32
      %dma_start3A_74 = tpu.memref_slice %arg9[%dma_start3A_73] : memref<9984xf32, #tpu.memory_space<vmem>> -> memref<128xf32, #tpu.memory_space<vmem>>
      tpu.enqueue_dma source(%dma_start3A_74 : memref<128xf32, #tpu.memory_space<vmem>>) target(%dma_start3A_72 : memref<128xf32, #tpu.memory_space<hbm>>) target_semaphore(%arg12 : memref<!tpu.dma_semaphore, #tpu.memory_space<semaphore_mem>>)
      %dma_start3A_75 = arith.constant 0 : i32
      %dma_start3A_76 = arith.constant 0 : i32
      %dma_start3A_77 = tpu.memref_slice %arg10[%dma_start3A_76] : memref<9984xf32, #tpu.memory_space<vmem>> -> memref<128xf32, #tpu.memory_space<vmem>>
      %dma_start3A_78 = tpu.memref_slice %arg5[%dma_start3A_75, %add3A_62] : memref<1x320000xf32, #tpu.memory_space<hbm>> -> memref<1x128xf32, #tpu.memory_space<hbm>>
      %dma_start3A_79 = tpu.memref_squeeze %dma_start3A_78 : memref<1x128xf32, #tpu.memory_space<hbm>> -> memref<128xf32, #tpu.memory_space<hbm>>
      %dma_start3A_80 = tpu.memref_slice %arg5[%dma_start3A_75, %add3A_62] : memref<1x320000xf32, #tpu.memory_space<hbm>> -> memref<1x128xf32, #tpu.memory_space<hbm>>
      %dma_start3A_81 = tpu.memref_squeeze %dma_start3A_80 : memref<1x128xf32, #tpu.memory_space<hbm>> -> memref<128xf32, #tpu.memory_space<hbm>>
      %dma_start3A_82 = arith.constant 0 : i32
      %dma_start3A_83 = tpu.memref_slice %arg10[%dma_start3A_82] : memref<9984xf32, #tpu.memory_space<vmem>> -> memref<128xf32, #tpu.memory_space<vmem>>
      tpu.enqueue_dma source(%dma_start3A_83 : memref<128xf32, #tpu.memory_space<vmem>>) target(%dma_start3A_81 : memref<128xf32, #tpu.memory_space<hbm>>) target_semaphore(%arg12 : memref<!tpu.dma_semaphore, #tpu.memory_space<semaphore_mem>>)
      %dma_start3A_84 = arith.constant 0 : i32
      %dma_start3A_85 = arith.constant 0 : i32
      %dma_start3A_86 = tpu.memref_slice %arg11[%dma_start3A_85] : memref<9984xf32, #tpu.memory_space<vmem>> -> memref<128xf32, #tpu.memory_space<vmem>>
      %dma_start3A_87 = tpu.memref_slice %arg6[%dma_start3A_84, %add3A_62] : memref<1x320000xf32, #tpu.memory_space<hbm>> -> memref<1x128xf32, #tpu.memory_space<hbm>>
      %dma_start3A_88 = tpu.memref_squeeze %dma_start3A_87 : memref<1x128xf32, #tpu.memory_space<hbm>> -> memref<128xf32, #tpu.memory_space<hbm>>
      %dma_start3A_89 = tpu.memref_slice %arg6[%dma_start3A_84, %add3A_62] : memref<1x320000xf32, #tpu.memory_space<hbm>> -> memref<1x128xf32, #tpu.memory_space<hbm>>
      %dma_start3A_90 = tpu.memref_squeeze %dma_start3A_89 : memref<1x128xf32, #tpu.memory_space<hbm>> -> memref<128xf32, #tpu.memory_space<hbm>>
      %dma_start3A_91 = arith.constant 0 : i32
      %dma_start3A_92 = tpu.memref_slice %arg11[%dma_start3A_91] : memref<9984xf32, #tpu.memory_space<vmem>> -> memref<128xf32, #tpu.memory_space<vmem>>
      tpu.enqueue_dma source(%dma_start3A_92 : memref<128xf32, #tpu.memory_space<vmem>>) target(%dma_start3A_90 : memref<128xf32, #tpu.memory_space<hbm>>) target_semaphore(%arg12 : memref<!tpu.dma_semaphore, #tpu.memory_space<semaphore_mem>>)
      %dma_wait3A_93 = arith.constant 0 : i32
      %dma_wait3A_94 = arith.constant 0 : i32
      %dma_wait3A_95 = tpu.memref_slice %arg9[%dma_wait3A_94] : memref<9984xf32, #tpu.memory_space<vmem>> -> memref<128xf32, #tpu.memory_space<vmem>>
      %dma_wait3A_96 = tpu.memref_slice %arg4[%dma_wait3A_93, %add3A_62] : memref<1x320000xf32, #tpu.memory_space<hbm>> -> memref<1x128xf32, #tpu.memory_space<hbm>>
      %dma_wait3A_97 = tpu.memref_squeeze %dma_wait3A_96 : memref<1x128xf32, #tpu.memory_space<hbm>> -> memref<128xf32, #tpu.memory_space<hbm>>
      %dma_wait3A_98 = tpu.memref_slice %arg4[%dma_wait3A_93, %add3A_62] : memref<1x320000xf32, #tpu.memory_space<hbm>> -> memref<1x128xf32, #tpu.memory_space<hbm>>
      %dma_wait3A_99 = tpu.memref_squeeze %dma_wait3A_98 : memref<1x128xf32, #tpu.memory_space<hbm>> -> memref<128xf32, #tpu.memory_space<hbm>>
      %dma_wait3A_100 = arith.constant 0 : i32
      %dma_wait3A_101 = tpu.memref_slice %arg9[%dma_wait3A_100] : memref<9984xf32, #tpu.memory_space<vmem>> -> memref<128xf32, #tpu.memory_space<vmem>>
      tpu.wait_dma2 semaphore(%arg12 : memref<!tpu.dma_semaphore, #tpu.memory_space<semaphore_mem>>) src(%dma_wait3A_101 : memref<128xf32, #tpu.memory_space<vmem>>) dst(%dma_wait3A_99 : memref<128xf32, #tpu.memory_space<hbm>>)
      %dma_wait3A_102 = arith.constant 0 : i32
      %dma_wait3A_103 = arith.constant 0 : i32
      %dma_wait3A_104 = tpu.memref_slice %arg10[%dma_wait3A_103] : memref<9984xf32, #tpu.memory_space<vmem>> -> memref<128xf32, #tpu.memory_space<vmem>>
      %dma_wait3A_105 = tpu.memref_slice %arg5[%dma_wait3A_102, %add3A_62] : memref<1x320000xf32, #tpu.memory_space<hbm>> -> memref<1x128xf32, #tpu.memory_space<hbm>>
      %dma_wait3A_106 = tpu.memref_squeeze %dma_wait3A_105 : memref<1x128xf32, #tpu.memory_space<hbm>> -> memref<128xf32, #tpu.memory_space<hbm>>
      %dma_wait3A_107 = tpu.memref_slice %arg5[%dma_wait3A_102, %add3A_62] : memref<1x320000xf32, #tpu.memory_space<hbm>> -> memref<1x128xf32, #tpu.memory_space<hbm>>
      %dma_wait3A_108 = tpu.memref_squeeze %dma_wait3A_107 : memref<1x128xf32, #tpu.memory_space<hbm>> -> memref<128xf32, #tpu.memory_space<hbm>>
      %dma_wait3A_109 = arith.constant 0 : i32
      %dma_wait3A_110 = tpu.memref_slice %arg10[%dma_wait3A_109] : memref<9984xf32, #tpu.memory_space<vmem>> -> memref<128xf32, #tpu.memory_space<vmem>>
      tpu.wait_dma2 semaphore(%arg12 : memref<!tpu.dma_semaphore, #tpu.memory_space<semaphore_mem>>) src(%dma_wait3A_110 : memref<128xf32, #tpu.memory_space<vmem>>) dst(%dma_wait3A_108 : memref<128xf32, #tpu.memory_space<hbm>>)
      %dma_wait3A_111 = arith.constant 0 : i32
      %dma_wait3A_112 = arith.constant 0 : i32
      %dma_wait3A_113 = tpu.memref_slice %arg11[%dma_wait3A_112] : memref<9984xf32, #tpu.memory_space<vmem>> -> memref<128xf32, #tpu.memory_space<vmem>>
      %dma_wait3A_114 = tpu.memref_slice %arg6[%dma_wait3A_111, %add3A_62] : memref<1x320000xf32, #tpu.memory_space<hbm>> -> memref<1x128xf32, #tpu.memory_space<hbm>>
      %dma_wait3A_115 = tpu.memref_squeeze %dma_wait3A_114 : memref<1x128xf32, #tpu.memory_space<hbm>> -> memref<128xf32, #tpu.memory_space<hbm>>
      %dma_wait3A_116 = tpu.memref_slice %arg6[%dma_wait3A_111, %add3A_62] : memref<1x320000xf32, #tpu.memory_space<hbm>> -> memref<1x128xf32, #tpu.memory_space<hbm>>
      %dma_wait3A_117 = tpu.memref_squeeze %dma_wait3A_116 : memref<1x128xf32, #tpu.memory_space<hbm>> -> memref<128xf32, #tpu.memory_space<hbm>>
      %dma_wait3A_118 = arith.constant 0 : i32
      %dma_wait3A_119 = tpu.memref_slice %arg11[%dma_wait3A_118] : memref<9984xf32, #tpu.memory_space<vmem>> -> memref<128xf32, #tpu.memory_space<vmem>>
      tpu.wait_dma2 semaphore(%arg12 : memref<!tpu.dma_semaphore, #tpu.memory_space<semaphore_mem>>) src(%dma_wait3A_119 : memref<128xf32, #tpu.memory_space<vmem>>) dst(%dma_wait3A_117 : memref<128xf32, #tpu.memory_space<hbm>>)
    } else {
    }
    return
  }
}

#map = affine_map<(d0, d1) -> (0)>
#map1 = affine_map<(d0, d1) -> (0, 0)>
module attributes {stable_mosaic.version = 14 : i64} {
  func.func @_emb_gather(%arg0: i32, %arg1: i32, %arg2: memref<10000xi32, #tpu.memory_space<hbm>>, %arg3: memref<100x128xf32, #tpu.memory_space<hbm>>, %arg4: memref<10000x128xf32, #tpu.memory_space<hbm>>, %arg5: memref<328xi32, #tpu.memory_space<vmem>>, %arg6: memref<328x128xf32, #tpu.memory_space<vmem>>, %arg7: memref<!tpu.dma_semaphore, #tpu.memory_space<semaphore_mem>>) attributes {dimension_semantics = [#tpu.dimension_semantics<core_parallel>, #tpu.dimension_semantics<subcore_parallel>], iteration_bounds = array<i64: 2, 16>, scalar_prefetch = 0 : i64, scratch_operands = 3 : i64, tpu.core_type = #tpu.core_type<sc_vector_subcore>, window_params = [{transform_indices = #map}, {transform_indices = #map1}, {transform_indices = #map1}]} {
    %mul3A = arith.constant 2 : i32
    %mul3A_0 = arith.muli %arg1, %mul3A : i32
    %add3A = arith.addi %mul3A_0, %arg0 : i32
    %mul3A_1 = arith.constant 312 : i32
    %mul3A_2 = arith.muli %add3A, %mul3A_1 : i32
    %lt3A = arith.constant 31 : i32
    %lt3A_3 = arith.cmpi slt, %add3A, %lt3A : i32
    %convert_element_type3A = arith.extui %lt3A_3 : i1 to i32
    %cond3A = arith.constant 0 : i32
    %cond3A_4 = arith.cmpi ne, %convert_element_type3A, %cond3A : i32
    scf.if %cond3A_4 {
      "tpu.region"() ({
        %run_scoped3A = tpu.sem_alloc : memref<!tpu.dma_semaphore, #tpu.memory_space<semaphore_mem>>
        %dma_start3A_23 = arith.constant 0 : i32
        %dma_start3A_24 = tpu.memref_slice %arg5[%dma_start3A_23] : memref<328xi32, #tpu.memory_space<vmem>> -> memref<312xi32, #tpu.memory_space<vmem>>
        %dma_start3A_25 = tpu.memref_slice %arg2[%mul3A_2] : memref<10000xi32, #tpu.memory_space<hbm>> -> memref<312xi32, #tpu.memory_space<hbm>>
        %dma_start3A_26 = arith.constant 0 : i32
        %dma_start3A_27 = tpu.memref_slice %arg5[%dma_start3A_26] : memref<328xi32, #tpu.memory_space<vmem>> -> memref<312xi32, #tpu.memory_space<vmem>>
        %dma_start3A_28 = tpu.memref_slice %arg2[%mul3A_2] : memref<10000xi32, #tpu.memory_space<hbm>> -> memref<312xi32, #tpu.memory_space<hbm>>
        tpu.enqueue_dma source(%dma_start3A_28 : memref<312xi32, #tpu.memory_space<hbm>>) target(%dma_start3A_27 : memref<312xi32, #tpu.memory_space<vmem>>) target_semaphore(%run_scoped3A : memref<!tpu.dma_semaphore, #tpu.memory_space<semaphore_mem>>)
        %dma_wait3A_29 = arith.constant 0 : i32
        %dma_wait3A_30 = tpu.memref_slice %arg5[%dma_wait3A_29] : memref<328xi32, #tpu.memory_space<vmem>> -> memref<312xi32, #tpu.memory_space<vmem>>
        %dma_wait3A_31 = tpu.memref_slice %arg2[%mul3A_2] : memref<10000xi32, #tpu.memory_space<hbm>> -> memref<312xi32, #tpu.memory_space<hbm>>
        %dma_wait3A_32 = arith.constant 0 : i32
        %dma_wait3A_33 = tpu.memref_slice %arg5[%dma_wait3A_32] : memref<328xi32, #tpu.memory_space<vmem>> -> memref<312xi32, #tpu.memory_space<vmem>>
        %dma_wait3A_34 = tpu.memref_slice %arg2[%mul3A_2] : memref<10000xi32, #tpu.memory_space<hbm>> -> memref<312xi32, #tpu.memory_space<hbm>>
        tpu.wait_dma2 semaphore(%run_scoped3A : memref<!tpu.dma_semaphore, #tpu.memory_space<semaphore_mem>>) src(%dma_wait3A_34 : memref<312xi32, #tpu.memory_space<hbm>>) dst(%dma_wait3A_33 : memref<312xi32, #tpu.memory_space<vmem>>)
        tpu.yield
      }) : () -> ()
      %dma_start3A = arith.constant 0 : i32
      %dma_start3A_9 = arith.constant 0 : i32
      %dma_start3A_10 = tpu.memref_slice %arg6[%dma_start3A, %dma_start3A_9] : memref<328x128xf32, #tpu.memory_space<vmem>> -> memref<312x128xf32, #tpu.memory_space<vmem>>
      %dma_start3A_11 = arith.constant 0 : i32
      %dma_start3A_12 = tpu.memref_slice %arg5[%dma_start3A_11] : memref<328xi32, #tpu.memory_space<vmem>> -> memref<312xi32, #tpu.memory_space<vmem>>
      %dma_start3A_13 = arith.constant 0 : i32
      %dma_start3A_14 = arith.constant 0 : i32
      %dma_start3A_15 = tpu.memref_slice %arg3[%dma_start3A_13, %dma_start3A_14] : memref<100x128xf32, #tpu.memory_space<hbm>> -> memref<100x128xf32, #tpu.memory_space<hbm>>
      tpu.enqueue_indirect_dma source(%dma_start3A_15 : memref<100x128xf32, #tpu.memory_space<hbm>>) target(%dma_start3A_10 : memref<312x128xf32, #tpu.memory_space<vmem>>) offsets(%dma_start3A_12 : memref<312xi32, #tpu.memory_space<vmem>>) semaphore(%arg7 : memref<!tpu.dma_semaphore, #tpu.memory_space<semaphore_mem>>)
      %dma_wait3A = arith.constant 0 : i32
      %dma_wait3A_16 = arith.constant 0 : i32
      %dma_wait3A_17 = tpu.memref_slice %arg6[%dma_wait3A, %dma_wait3A_16] : memref<328x128xf32, #tpu.memory_space<vmem>> -> memref<312x128xf32, #tpu.memory_space<vmem>>
      %dma_wait3A_18 = arith.constant 0 : i32
      %dma_wait3A_19 = tpu.memref_slice %arg5[%dma_wait3A_18] : memref<328xi32, #tpu.memory_space<vmem>> -> memref<312xi32, #tpu.memory_space<vmem>>
      %dma_wait3A_20 = arith.constant 0 : i32
      %dma_wait3A_21 = arith.constant 0 : i32
      %dma_wait3A_22 = tpu.memref_slice %arg3[%dma_wait3A_20, %dma_wait3A_21] : memref<100x128xf32, #tpu.memory_space<hbm>> -> memref<100x128xf32, #tpu.memory_space<hbm>>
      tpu.wait_indirect_dma semaphore(%arg7 : memref<!tpu.dma_semaphore, #tpu.memory_space<semaphore_mem>>) src(%dma_wait3A_22 : memref<100x128xf32, #tpu.memory_space<hbm>>) dst(%dma_wait3A_17 : memref<312x128xf32, #tpu.memory_space<vmem>>)
      "tpu.region"() ({
        %run_scoped3A = tpu.sem_alloc : memref<!tpu.dma_semaphore, #tpu.memory_space<semaphore_mem>>
        %dma_start3A_23 = arith.constant 0 : i32
        %dma_start3A_24 = arith.constant 0 : i32
        %dma_start3A_25 = tpu.memref_slice %arg6[%dma_start3A_23, %dma_start3A_24] : memref<328x128xf32, #tpu.memory_space<vmem>> -> memref<312x128xf32, #tpu.memory_space<vmem>>
        %dma_start3A_26 = arith.constant 0 : i32
        %dma_start3A_27 = tpu.memref_slice %arg4[%mul3A_2, %dma_start3A_26] : memref<10000x128xf32, #tpu.memory_space<hbm>> -> memref<312x128xf32, #tpu.memory_space<hbm>>
        %dma_start3A_28 = arith.constant 0 : i32
        %dma_start3A_29 = tpu.memref_slice %arg4[%mul3A_2, %dma_start3A_28] : memref<10000x128xf32, #tpu.memory_space<hbm>> -> memref<312x128xf32, #tpu.memory_space<hbm>>
        %dma_start3A_30 = arith.constant 0 : i32
        %dma_start3A_31 = arith.constant 0 : i32
        %dma_start3A_32 = tpu.memref_slice %arg6[%dma_start3A_30, %dma_start3A_31] : memref<328x128xf32, #tpu.memory_space<vmem>> -> memref<312x128xf32, #tpu.memory_space<vmem>>
        tpu.enqueue_dma source(%dma_start3A_32 : memref<312x128xf32, #tpu.memory_space<vmem>>) target(%dma_start3A_29 : memref<312x128xf32, #tpu.memory_space<hbm>>) target_semaphore(%run_scoped3A : memref<!tpu.dma_semaphore, #tpu.memory_space<semaphore_mem>>)
        %dma_wait3A_33 = arith.constant 0 : i32
        %dma_wait3A_34 = arith.constant 0 : i32
        %dma_wait3A_35 = tpu.memref_slice %arg6[%dma_wait3A_33, %dma_wait3A_34] : memref<328x128xf32, #tpu.memory_space<vmem>> -> memref<312x128xf32, #tpu.memory_space<vmem>>
        %dma_wait3A_36 = arith.constant 0 : i32
        %dma_wait3A_37 = tpu.memref_slice %arg4[%mul3A_2, %dma_wait3A_36] : memref<10000x128xf32, #tpu.memory_space<hbm>> -> memref<312x128xf32, #tpu.memory_space<hbm>>
        %dma_wait3A_38 = arith.constant 0 : i32
        %dma_wait3A_39 = tpu.memref_slice %arg4[%mul3A_2, %dma_wait3A_38] : memref<10000x128xf32, #tpu.memory_space<hbm>> -> memref<312x128xf32, #tpu.memory_space<hbm>>
        %dma_wait3A_40 = arith.constant 0 : i32
        %dma_wait3A_41 = arith.constant 0 : i32
        %dma_wait3A_42 = tpu.memref_slice %arg6[%dma_wait3A_40, %dma_wait3A_41] : memref<328x128xf32, #tpu.memory_space<vmem>> -> memref<312x128xf32, #tpu.memory_space<vmem>>
        tpu.wait_dma2 semaphore(%run_scoped3A : memref<!tpu.dma_semaphore, #tpu.memory_space<semaphore_mem>>) src(%dma_wait3A_42 : memref<312x128xf32, #tpu.memory_space<vmem>>) dst(%dma_wait3A_39 : memref<312x128xf32, #tpu.memory_space<hbm>>)
        tpu.yield
      }) : () -> ()
    } else {
    }
    %eq3A = arith.constant 31 : i32
    %eq3A_5 = arith.cmpi eq, %add3A, %eq3A : i32
    %convert_element_type3A_6 = arith.extui %eq3A_5 : i1 to i32
    %cond3A_7 = arith.constant 0 : i32
    %cond3A_8 = arith.cmpi ne, %convert_element_type3A_6, %cond3A_7 : i32
    scf.if %cond3A_8 {
      "tpu.region"() ({
        %run_scoped3A = tpu.sem_alloc : memref<!tpu.dma_semaphore, #tpu.memory_space<semaphore_mem>>
        %dma_start3A_13 = tpu.memref_slice %arg2[%mul3A_2] : memref<10000xi32, #tpu.memory_space<hbm>> -> memref<328xi32, #tpu.memory_space<hbm>>
        %dma_start3A_14 = tpu.memref_slice %arg2[%mul3A_2] : memref<10000xi32, #tpu.memory_space<hbm>> -> memref<328xi32, #tpu.memory_space<hbm>>
        tpu.enqueue_dma source(%dma_start3A_14 : memref<328xi32, #tpu.memory_space<hbm>>) target(%arg5 : memref<328xi32, #tpu.memory_space<vmem>>) target_semaphore(%run_scoped3A : memref<!tpu.dma_semaphore, #tpu.memory_space<semaphore_mem>>)
        %dma_wait3A_15 = tpu.memref_slice %arg2[%mul3A_2] : memref<10000xi32, #tpu.memory_space<hbm>> -> memref<328xi32, #tpu.memory_space<hbm>>
        %dma_wait3A_16 = tpu.memref_slice %arg2[%mul3A_2] : memref<10000xi32, #tpu.memory_space<hbm>> -> memref<328xi32, #tpu.memory_space<hbm>>
        tpu.wait_dma2 semaphore(%run_scoped3A : memref<!tpu.dma_semaphore, #tpu.memory_space<semaphore_mem>>) src(%dma_wait3A_16 : memref<328xi32, #tpu.memory_space<hbm>>) dst(%arg5 : memref<328xi32, #tpu.memory_space<vmem>>)
        tpu.yield
      }) : () -> ()
      %dma_start3A = arith.constant 0 : i32
      %dma_start3A_9 = arith.constant 0 : i32
      %dma_start3A_10 = tpu.memref_slice %arg3[%dma_start3A, %dma_start3A_9] : memref<100x128xf32, #tpu.memory_space<hbm>> -> memref<100x128xf32, #tpu.memory_space<hbm>>
      tpu.enqueue_indirect_dma source(%dma_start3A_10 : memref<100x128xf32, #tpu.memory_space<hbm>>) target(%arg6 : memref<328x128xf32, #tpu.memory_space<vmem>>) offsets(%arg5 : memref<328xi32, #tpu.memory_space<vmem>>) semaphore(%arg7 : memref<!tpu.dma_semaphore, #tpu.memory_space<semaphore_mem>>)
      %dma_wait3A = arith.constant 0 : i32
      %dma_wait3A_11 = arith.constant 0 : i32
      %dma_wait3A_12 = tpu.memref_slice %arg3[%dma_wait3A, %dma_wait3A_11] : memref<100x128xf32, #tpu.memory_space<hbm>> -> memref<100x128xf32, #tpu.memory_space<hbm>>
      tpu.wait_indirect_dma semaphore(%arg7 : memref<!tpu.dma_semaphore, #tpu.memory_space<semaphore_mem>>) src(%dma_wait3A_12 : memref<100x128xf32, #tpu.memory_space<hbm>>) dst(%arg6 : memref<328x128xf32, #tpu.memory_space<vmem>>)
      "tpu.region"() ({
        %run_scoped3A = tpu.sem_alloc : memref<!tpu.dma_semaphore, #tpu.memory_space<semaphore_mem>>
        %dma_start3A_13 = arith.constant 0 : i32
        %dma_start3A_14 = tpu.memref_slice %arg4[%mul3A_2, %dma_start3A_13] : memref<10000x128xf32, #tpu.memory_space<hbm>> -> memref<328x128xf32, #tpu.memory_space<hbm>>
        %dma_start3A_15 = arith.constant 0 : i32
        %dma_start3A_16 = tpu.memref_slice %arg4[%mul3A_2, %dma_start3A_15] : memref<10000x128xf32, #tpu.memory_space<hbm>> -> memref<328x128xf32, #tpu.memory_space<hbm>>
        tpu.enqueue_dma source(%arg6 : memref<328x128xf32, #tpu.memory_space<vmem>>) target(%dma_start3A_16 : memref<328x128xf32, #tpu.memory_space<hbm>>) target_semaphore(%run_scoped3A : memref<!tpu.dma_semaphore, #tpu.memory_space<semaphore_mem>>)
        %dma_wait3A_17 = arith.constant 0 : i32
        %dma_wait3A_18 = tpu.memref_slice %arg4[%mul3A_2, %dma_wait3A_17] : memref<10000x128xf32, #tpu.memory_space<hbm>> -> memref<328x128xf32, #tpu.memory_space<hbm>>
        %dma_wait3A_19 = arith.constant 0 : i32
        %dma_wait3A_20 = tpu.memref_slice %arg4[%mul3A_2, %dma_wait3A_19] : memref<10000x128xf32, #tpu.memory_space<hbm>> -> memref<328x128xf32, #tpu.memory_space<hbm>>
        tpu.wait_dma2 semaphore(%run_scoped3A : memref<!tpu.dma_semaphore, #tpu.memory_space<semaphore_mem>>) src(%arg6 : memref<328x128xf32, #tpu.memory_space<vmem>>) dst(%dma_wait3A_20 : memref<328x128xf32, #tpu.memory_space<hbm>>)
        tpu.yield
      }) : () -> ()
    } else {
    }
    return
  }
}

module attributes {stable_mosaic.version = 14 : i64} {
  func.func @_tc_body(%arg0: i32, %arg1: memref<1x64000xf32, #tpu.memory_space<vmem>>, %arg2: memref<1x64000xf32, #tpu.memory_space<vmem>>, %arg3: memref<1x64000xf32, #tpu.memory_space<vmem>>, %arg4: memref<20x64000xf32, #tpu.memory_space<vmem>>, %arg5: memref<1x64000xf32, #tpu.memory_space<vmem>>, %arg6: memref<3x64000xf32, #tpu.memory_space<vmem>>) attributes {dimension_semantics = [#tpu.dimension_semantics<arbitrary>], iteration_bounds = array<i64: 5>, scalar_prefetch = 0 : i64, scratch_operands = 0 : i64, tpu.core_type = #tpu.core_type<tc>, window_params = [{transform_indices = @transform_0, window_bounds = array<i64: 1, 64000>}, {transform_indices = @transform_1, window_bounds = array<i64: 1, 64000>}, {transform_indices = @transform_2, window_bounds = array<i64: 1, 64000>}, {transform_indices = @transform_3, window_bounds = array<i64: 20, 64000>}, {transform_indices = @transform_4, window_bounds = array<i64: 1, 64000>}, {transform_indices = @transform_5, window_bounds = array<i64: 3, 64000>}]} {
    %get3A = arith.constant 0 : index
    %get3A_0 = arith.constant 0 : index
    %get3A_1 = vector.load %arg1[%get3A, %get3A_0] : memref<1x64000xf32, #tpu.memory_space<vmem>>, vector<1x64000xf32>
    %get3A_2 = arith.constant 0 : index
    %get3A_3 = arith.constant 0 : index
    %get3A_4 = vector.load %arg2[%get3A_2, %get3A_3] : memref<1x64000xf32, #tpu.memory_space<vmem>>, vector<1x64000xf32>
    %get3A_5 = arith.constant 0 : index
    %get3A_6 = arith.constant 0 : index
    %get3A_7 = vector.load %arg3[%get3A_5, %get3A_6] : memref<1x64000xf32, #tpu.memory_space<vmem>>, vector<1x64000xf32>
    %mul3A = arith.mulf %get3A_1, %get3A_1 : vector<1x64000xf32>
    %mul3A_8 = arith.mulf %get3A_4, %get3A_4 : vector<1x64000xf32>
    %add3A = arith.addf %mul3A, %mul3A_8 : vector<1x64000xf32>
    %mul3A_9 = arith.mulf %get3A_7, %get3A_7 : vector<1x64000xf32>
    %add3A_10 = arith.addf %add3A, %mul3A_9 : vector<1x64000xf32>
    %sqrt3A = math.sqrt %add3A_10 : vector<1x64000xf32>
    %div3A = arith.constant 1.000000e+00 : f32
    %div3A_11 = vector.broadcast %div3A : f32 to vector<1x64000xf32>
    %div3A_12 = arith.divf %div3A_11, %sqrt3A : vector<1x64000xf32>
    %mul3A_13 = arith.constant 0.628318548 : f32
    %mul3A_14 = vector.broadcast %mul3A_13 : f32 to vector<1x64000xf32>
    %mul3A_15 = arith.mulf %sqrt3A, %mul3A_14 : vector<1x64000xf32>
    %iota3A = tpu.iota {dimensions = array<i32: 0>} : vector<20x1xi32>
    %add3A_16 = arith.constant 1 : i32
    %add3A_17 = vector.broadcast %add3A_16 : i32 to vector<20x1xi32>
    %add3A_18 = arith.addi %iota3A, %add3A_17 : vector<20x1xi32>
    %convert_element_type3A = arith.sitofp %add3A_18 : vector<20x1xi32> to vector<20x1xf32>
    %mul3A_19 = vector.broadcast %convert_element_type3A : vector<20x1xf32> to vector<20x64000xf32>
    %mul3A_20 = vector.broadcast %mul3A_15 : vector<1x64000xf32> to vector<20x64000xf32>
    %mul3A_21 = arith.mulf %mul3A_19, %mul3A_20 : vector<20x64000xf32>
    %sqrt3A_22 = arith.constant 4.000000e-01 : f32
    %sqrt3A_23 = math.sqrt %sqrt3A_22 : f32
    %mul3A_24 = vector.broadcast %sqrt3A_23 : f32 to vector<1x64000xf32>
    %mul3A_25 = arith.mulf %mul3A_24, %div3A_12 : vector<1x64000xf32>
    %mul3A_26 = arith.constant 0.159154937 : f32
    %mul3A_27 = vector.broadcast %mul3A_26 : f32 to vector<20x64000xf32>
    %mul3A_28 = arith.mulf %mul3A_21, %mul3A_27 : vector<20x64000xf32>
    %add3A_29 = arith.constant 5.000000e-01 : f32
    %add3A_30 = vector.broadcast %add3A_29 : f32 to vector<20x64000xf32>
    %add3A_31 = arith.addf %mul3A_28, %add3A_30 : vector<20x64000xf32>
    %floor3A = math.floor %add3A_31 : vector<20x64000xf32>
    %mul3A_32 = arith.constant 6.28318548 : f32
    %mul3A_33 = vector.broadcast %mul3A_32 : f32 to vector<20x64000xf32>
    %mul3A_34 = arith.mulf %floor3A, %mul3A_33 : vector<20x64000xf32>
    %sub3A = arith.subf %mul3A_21, %mul3A_34 : vector<20x64000xf32>
    %mul3A_35 = arith.mulf %sub3A, %sub3A : vector<20x64000xf32>
    %mul3A_36 = arith.constant 1.3697371E-10 : f32
    %mul3A_37 = vector.broadcast %mul3A_36 : f32 to vector<20x64000xf32>
    %mul3A_38 = arith.mulf %mul3A_37, %mul3A_35 : vector<20x64000xf32>
    %add3A_39 = arith.constant -2.47521452E-8 : f32
    %add3A_40 = vector.broadcast %add3A_39 : f32 to vector<20x64000xf32>
    %add3A_41 = arith.addf %mul3A_38, %add3A_40 : vector<20x64000xf32>
    %mul3A_42 = arith.mulf %add3A_41, %mul3A_35 : vector<20x64000xf32>
    %add3A_43 = arith.constant 2.75382558E-6 : f32
    %add3A_44 = vector.broadcast %add3A_43 : f32 to vector<20x64000xf32>
    %add3A_45 = arith.addf %mul3A_42, %add3A_44 : vector<20x64000xf32>
    %mul3A_46 = arith.mulf %add3A_45, %mul3A_35 : vector<20x64000xf32>
    %add3A_47 = arith.constant -1.98406473E-4 : f32
    %add3A_48 = vector.broadcast %add3A_47 : f32 to vector<20x64000xf32>
    %add3A_49 = arith.addf %mul3A_46, %add3A_48 : vector<20x64000xf32>
    %mul3A_50 = arith.mulf %add3A_49, %mul3A_35 : vector<20x64000xf32>
    %add3A_51 = arith.constant 0.00833332352 : f32
    %add3A_52 = vector.broadcast %add3A_51 : f32 to vector<20x64000xf32>
    %add3A_53 = arith.addf %mul3A_50, %add3A_52 : vector<20x64000xf32>
    %mul3A_54 = arith.mulf %add3A_53, %mul3A_35 : vector<20x64000xf32>
    %add3A_55 = arith.constant -0.166666657 : f32
    %add3A_56 = vector.broadcast %add3A_55 : f32 to vector<20x64000xf32>
    %add3A_57 = arith.addf %mul3A_54, %add3A_56 : vector<20x64000xf32>
    %mul3A_58 = arith.mulf %add3A_57, %mul3A_35 : vector<20x64000xf32>
    %add3A_59 = arith.constant 1.000000e+00 : f32
    %add3A_60 = vector.broadcast %add3A_59 : f32 to vector<20x64000xf32>
    %add3A_61 = arith.addf %mul3A_58, %add3A_60 : vector<20x64000xf32>
    %mul3A_62 = arith.mulf %add3A_61, %sub3A : vector<20x64000xf32>
    %mul3A_63 = vector.broadcast %mul3A_25 : vector<1x64000xf32> to vector<20x64000xf32>
    %mul3A_64 = arith.mulf %mul3A_62, %mul3A_63 : vector<20x64000xf32>
    %swap3A = arith.constant 0 : index
    %swap3A_65 = arith.constant 0 : index
    %swap3A_66 = vector.load %arg4[%swap3A, %swap3A_65] : memref<20x64000xf32, #tpu.memory_space<vmem>>, vector<20x64000xf32>
    tpu.vector_store %arg4[%swap3A, %swap3A_65], %mul3A_64 {strides = array<i32>} : memref<20x64000xf32, #tpu.memory_space<vmem>>, vector<20x64000xf32>,
    %mul3A_67 = arith.constant 0.159154937 : f32
    %mul3A_68 = vector.broadcast %mul3A_67 : f32 to vector<1x64000xf32>
    %mul3A_69 = arith.mulf %mul3A_15, %mul3A_68 : vector<1x64000xf32>
    %add3A_70 = arith.constant 5.000000e-01 : f32
    %add3A_71 = vector.broadcast %add3A_70 : f32 to vector<1x64000xf32>
    %add3A_72 = arith.addf %mul3A_69, %add3A_71 : vector<1x64000xf32>
    %floor3A_73 = math.floor %add3A_72 : vector<1x64000xf32>
    %mul3A_74 = arith.constant 6.28318548 : f32
    %mul3A_75 = vector.broadcast %mul3A_74 : f32 to vector<1x64000xf32>
    %mul3A_76 = arith.mulf %floor3A_73, %mul3A_75 : vector<1x64000xf32>
    %sub3A_77 = arith.subf %mul3A_15, %mul3A_76 : vector<1x64000xf32>
    %mul3A_78 = arith.mulf %sub3A_77, %sub3A_77 : vector<1x64000xf32>
    %mul3A_79 = arith.constant -9.77499678E-12 : f32
    %mul3A_80 = vector.broadcast %mul3A_79 : f32 to vector<1x64000xf32>
    %mul3A_81 = arith.mulf %mul3A_80, %mul3A_78 : vector<1x64000xf32>
    %add3A_82 = arith.constant 2.06207273E-9 : f32
    %add3A_83 = vector.broadcast %add3A_82 : f32 to vector<1x64000xf32>
    %add3A_84 = arith.addf %mul3A_81, %add3A_83 : vector<1x64000xf32>
    %mul3A_85 = arith.mulf %add3A_84, %mul3A_78 : vector<1x64000xf32>
    %add3A_86 = arith.constant -2.75369899E-7 : f32
    %add3A_87 = vector.broadcast %add3A_86 : f32 to vector<1x64000xf32>
    %add3A_88 = arith.addf %mul3A_85, %add3A_87 : vector<1x64000xf32>
    %mul3A_89 = arith.mulf %add3A_88, %mul3A_78 : vector<1x64000xf32>
    %add3A_90 = arith.constant 2.48006909E-5 : f32
    %add3A_91 = vector.broadcast %add3A_90 : f32 to vector<1x64000xf32>
    %add3A_92 = arith.addf %mul3A_89, %add3A_91 : vector<1x64000xf32>
    %mul3A_93 = arith.mulf %add3A_92, %mul3A_78 : vector<1x64000xf32>
    %add3A_94 = arith.constant -0.00138888671 : f32
    %add3A_95 = vector.broadcast %add3A_94 : f32 to vector<1x64000xf32>
    %add3A_96 = arith.addf %mul3A_93, %add3A_95 : vector<1x64000xf32>
    %mul3A_97 = arith.mulf %add3A_96, %mul3A_78 : vector<1x64000xf32>
    %add3A_98 = arith.constant 0.0416666642 : f32
    %add3A_99 = vector.broadcast %add3A_98 : f32 to vector<1x64000xf32>
    %add3A_100 = arith.addf %mul3A_97, %add3A_99 : vector<1x64000xf32>
    %mul3A_101 = arith.mulf %add3A_100, %mul3A_78 : vector<1x64000xf32>
    %add3A_102 = arith.constant -5.000000e-01 : f32
    %add3A_103 = vector.broadcast %add3A_102 : f32 to vector<1x64000xf32>
    %add3A_104 = arith.addf %mul3A_101, %add3A_103 : vector<1x64000xf32>
    %mul3A_105 = arith.mulf %add3A_104, %mul3A_78 : vector<1x64000xf32>
    %add3A_106 = arith.constant 1.000000e+00 : f32
    %add3A_107 = vector.broadcast %add3A_106 : f32 to vector<1x64000xf32>
    %add3A_108 = arith.addf %mul3A_105, %add3A_107 : vector<1x64000xf32>
    %add3A_109 = arith.constant 1.000000e+00 : f32
    %add3A_110 = vector.broadcast %add3A_109 : f32 to vector<1x64000xf32>
    %add3A_111 = arith.addf %add3A_108, %add3A_110 : vector<1x64000xf32>
    %mul3A_112 = arith.constant 5.000000e-01 : f32
    %mul3A_113 = vector.broadcast %mul3A_112 : f32 to vector<1x64000xf32>
    %mul3A_114 = arith.mulf %mul3A_113, %add3A_111 : vector<1x64000xf32>
    %lt3A = arith.constant 5.000000e+00 : f32
    %lt3A_115 = vector.broadcast %lt3A : f32 to vector<1x64000xf32>
    %lt3A_116 = arith.cmpf olt, %sqrt3A, %lt3A_115 : vector<1x64000xf32>
    %convert_element_type3A_117 = arith.extui %lt3A_116 : vector<1x64000xi1> to vector<1x64000xi32>
    %convert_element_type3A_118 = arith.sitofp %convert_element_type3A_117 : vector<1x64000xi32> to vector<1x64000xf32>
    %mul3A_119 = arith.mulf %mul3A_114, %convert_element_type3A_118 : vector<1x64000xf32>
    %swap3A_120 = arith.constant 0 : index
    %swap3A_121 = arith.constant 0 : index
    %swap3A_122 = vector.load %arg5[%swap3A_120, %swap3A_121] : memref<1x64000xf32, #tpu.memory_space<vmem>>, vector<1x64000xf32>
    tpu.vector_store %arg5[%swap3A_120, %swap3A_121], %mul3A_119 {strides = array<i32>} : memref<1x64000xf32, #tpu.memory_space<vmem>>, vector<1x64000xf32>,
    %mul3A_123 = arith.mulf %get3A_1, %div3A_12 : vector<1x64000xf32>
    %mul3A_124 = arith.mulf %get3A_4, %div3A_12 : vector<1x64000xf32>
    %mul3A_125 = arith.mulf %get3A_7, %div3A_12 : vector<1x64000xf32>
    %concatenate3A = tpu.concatenate %mul3A_123, %mul3A_124, %mul3A_125 in 0 : vector<1x64000xf32>, vector<1x64000xf32>, vector<1x64000xf32> -> vector<3x64000xf32>
    %swap3A_126 = arith.constant 0 : index
    %swap3A_127 = arith.constant 0 : index
    %swap3A_128 = vector.load %arg6[%swap3A_126, %swap3A_127] : memref<3x64000xf32, #tpu.memory_space<vmem>>, vector<3x64000xf32>
    tpu.vector_store %arg6[%swap3A_126, %swap3A_127], %concatenate3A {strides = array<i32>} : memref<3x64000xf32, #tpu.memory_space<vmem>>, vector<3x64000xf32>,
    return
  }
  func.func @transform_0(%arg0: i32) -> (i32, i32) {
    %c0_i32 = arith.constant 0 : i32
    %c0_i32_0 = arith.constant 0 : i32
    return %c0_i32, %arg0 : i32, i32
  }
  func.func @transform_1(%arg0: i32) -> (i32, i32) {
    %c0_i32 = arith.constant 0 : i32
    %c0_i32_0 = arith.constant 0 : i32
    return %c0_i32, %arg0 : i32, i32
  }
  func.func @transform_2(%arg0: i32) -> (i32, i32) {
    %c0_i32 = arith.constant 0 : i32
    %c0_i32_0 = arith.constant 0 : i32
    return %c0_i32, %arg0 : i32, i32
  }
  func.func @transform_3(%arg0: i32) -> (i32, i32) {
    %c0_i32 = arith.constant 0 : i32
    %c0_i32_0 = arith.constant 0 : i32
    return %c0_i32, %arg0 : i32, i32
  }
  func.func @transform_4(%arg0: i32) -> (i32, i32) {
    %c0_i32 = arith.constant 0 : i32
    %c0_i32_0 = arith.constant 0 : i32
    return %c0_i32, %arg0 : i32, i32
  }
  func.func @transform_5(%arg0: i32) -> (i32, i32) {
    %c0_i32 = arith.constant 0 : i32
    %c0_i32_0 = arith.constant 0 : i32
    return %c0_i32, %arg0 : i32, i32
  }
}

</mosaic_0001>

<sc_bundles>
// kernel: kernel.5.cloned.1.call-start
scs
__scs_entry_jumppad:
0x0: {  	(pc) =	sbr.rel $0x88, $3  }
0x1: {  	(tag) =	ssettag $0x0;
	lr =	simm.s32 $0x1  }
0x2: {  	[smem:$0x3F9D] =	sst lr;
	_ =	strace $0xD0000000  }
0x3: {  	_ = 	snop  }
0x4: {  	_ = 	snop  }
0x5: {  	_ = 	snop  }
0x6: {  	_ = 	snop  }
0x7: {  	_ = 	snop  }
__scs_overlays_trampoline_lowered:
0x8: {  	[smem:$0x3FAC] =	sst s0  }
0x9: {  	[smem:$0x3FAD] =	sst s1  }
0xa: {  	[smem:$0x3FAE] =	sst s2  }
0xb: {  	[smem:$0x3FAF] =	sst s3  }
0xc: {  	[smem:$0x3FB0] =	sst s4  }
0xd: {  	[smem:$0x3FB1] =	sst s5  }
0xe: {  	[smem:$0x3FB2] =	sst s6  }
0xf: {  	[smem:$0x3FB3] =	sst s7  }
0x10: {  	[smem:$0x3FB4] =	sst s8  }
0x11: {  	[smem:$0x3FB5] =	sst s9;
	s0 =	simm.s32 @!p0 $0x0  }
0x12: {  	s1 =	sld [smem:$0x3F9B];
	s0 =	simm.s32 @p0 $0x1  }
0x13: {  	[smem:$0x3FB6] =	sst s0;
	s0 =	simm.s32 @!p1 $0x0  }
0x14: {  	s2 =	sld [smem:$0x3F9A];
	s0 =	simm.s32 @p1 $0x1  }
0x15: {  	[smem:$0x3FB7] =	sst s0;
	s0 =	simm.s32 @!p2 $0x0  }
0x16: {  	s3 =	sld [smem:$0x3FDB];
	s0 =	simm.s32 @p2 $0x1  }
0x17: {  	s4 =	simm.s32 $0x1BF5;
	[smem:$0x3FB9] =	sst s0  }
0x18: {  	s0 =	sld [smem:$0x3F9C];
	_ =	swait.ge [sflag:s4], $0x0  }
0x19: {  	s7 =	sld [smem:$0x3F9D]  }
0x1a: {  	s8 =	sadd.s32 $0xFFFFE003, lr  }
0x1b: {  	s9 =	sadd.s32 $0xFFFFFEF7, lr;
	s5 =	simm.s32 $0xFFFFFFFF;
	p2 =	slt.u32 s8, $0xFFFFF086  }
0x1c: {  	p1 =	slt.u32 s9, $0xF7A;
	s5 =	simm.s32 @!p2 $0x0  }
0x1d: {  	s5 =	simm.s32 @p1 $0x1;
	p0 =	seq.s32 s7, s2  }
0x1e: {  	s7 =	smul.u32 @!p0 $0xF7A, s2;
	p2 =	seq.s32 @!p0 s5, $0x0  }
0x1f: {  	s9 =	smul.u32 $0xF7A, s1;
	s8 =	simm.s32 @!p0 $0x1BF5;
	p2 =	por !p2, p0  }
0x20: {  	[sflag:s8] =	ssyncset.s32 @!p0 $0xFFFFF086;
	s6 =	sadd.s32 @!p0 s3, s7;
	s7 =	simm.s32 @!p0 $0x108  }
0x21: {  	s3 =	sadd.s32 s3, s9;
	s6 =	sadd.s32 @!p0 $0x88, s6;
	s7 =	simm.s32 @p2 $0x1082  }
0x22: {  	[simem:s7], [sflag:s8] =	dma.local @!p0 [hbm:s6], $0xF7A  }
0x23: {  	s9 =	sor.u32 $0xD0000000, s2;
	s6 =	simm.s32 $0x108;
	_ =	swait.ge @!p0 [sflag:s8], $0x0  }
0x24: {  	s3 =	sadd.s32 $0x88, s3;
	s6 =	simm.s32 @!p1 $0x1082;
	[sflag:s4] =	ssyncset.s32 $0xFFFFF086  }
0x25: {  	[simem:s6], [sflag:s4] =	dma.local [hbm:s3], $0xF7A  }
0x26: {  	[smem:$0x3F9D] =	sst s1;
	(tag) =	ssettag s2;
	_ =	strace s9  }
0x27: {  	s1 =	sld [smem:$0x3FAD]  }
0x28: {  	s2 =	sld [smem:$0x3FAE]  }
0x29: {  	s4 =	sld [smem:$0x3FB0]  }
0x2a: {  	p0 =	seq.s32 s5, $0x0;
	s5 =	sld [smem:$0x3FB1]  }
0x2b: {  	s6 =	sld [smem:$0x3FB2]  }
0x2c: {  	s7 =	sld [smem:$0x3FB3]  }
0x2d: {  	s3 =	simm.s32 $0x108;
	s8 =	sld [smem:$0x3FB4]  }
0x2e: {  	s3 =	simm.s32 @!p0 $0x1082;
	s9 =	sld [smem:$0x3FB5]  }
0x2f: {  	lr =	sadd.s32 s0, s3;
	s0 =	sld [smem:$0x3FAC]  }
0x30: {  	s3 =	sld [smem:$0x3FAF]  }
0x31: {  	[smem:$0x3FB8] =	sst s10  }
0x32: {  	s10 =	sld [smem:$0x3FB6];
	_ =	sdelay $0x3  }
0x33: {  	p0 =	seq.s32 s10, $0x1;
	s10 =	sld [smem:$0x3FB8];
	_ =	sdelay $0x3  }
0x34: {  	[smem:$0x3FB8] =	sst s10  }
0x35: {  	s10 =	sld [smem:$0x3FB7];
	_ =	sdelay $0x3  }
0x36: {  	p1 =	seq.s32 s10, $0x1;
	s10 =	sld [smem:$0x3FB8];
	_ =	sdelay $0x3  }
0x37: {  	[smem:$0x3FB8] =	sst s10  }
0x38: {  	s10 =	sld [smem:$0x3FB9]  }
0x39: {  	_ = 	snop;
	(pc) =	sbr.ind lr, $3  }
0x3a: {  	_ = 	snop  }
0x3b: {  	_ = 	snop  }
0x3c: {  	p2 =	seq.s32 s10, $0x1;
	s10 =	sld [smem:$0x3FB8]  }
0x3d: {  	_ =	shalt  }
0x3e: {  	_ =	shalt  }
0x3f: {  	_ =	shalt  }
0x40: {  	_ =	shalt  }
0x41: {  	_ =	shalt  }
0x42: {  	_ =	shalt  }
0x43: {  	_ =	shalt  }
0x44: {  	_ =	shalt  }
0x45: {  	_ =	shalt  }
0x46: {  	_ =	shalt  }
0x47: {  	_ =	shalt  }
0x48: {  	_ =	shalt  }
0x49: {  	_ =	shalt  }
0x4a: {  	_ =	shalt  }
0x4b: {  	_ =	shalt  }
0x4c: {  	_ =	shalt  }
0x4d: {  	_ =	shalt  }
0x4e: {  	_ =	shalt  }
0x4f: {  	_ =	shalt  }
0x50: {  	_ =	shalt  }
0x51: {  	_ =	shalt  }
0x52: {  	_ =	shalt  }
0x53: {  	_ =	shalt  }
0x54: {  	_ =	shalt  }
0x55: {  	_ =	shalt  }
0x56: {  	_ =	shalt  }
0x57: {  	_ =	shalt  }
0x58: {  	_ =	shalt  }
0x59: {  	_ =	shalt  }
0x5a: {  	_ =	shalt  }
0x5b: {  	_ =	shalt  }
0x5c: {  	_ =	shalt  }
0x5d: {  	_ =	shalt  }
0x5e: {  	_ =	shalt  }
0x5f: {  	_ =	shalt  }
0x60: {  	_ =	shalt  }
0x61: {  	_ =	shalt  }
0x62: {  	_ =	shalt  }
0x63: {  	_ =	shalt  }
0x64: {  	_ =	shalt  }
0x65: {  	_ =	shalt  }
0x66: {  	_ =	shalt  }
0x67: {  	_ =	shalt  }
0x68: {  	_ =	shalt  }
0x69: {  	_ =	shalt  }
0x6a: {  	_ =	shalt  }
0x6b: {  	_ =	shalt  }
0x6c: {  	_ =	shalt  }
0x6d: {  	_ =	shalt  }
0x6e: {  	_ =	shalt  }
0x6f: {  	_ =	shalt  }
0x70: {  	_ =	shalt  }
0x71: {  	_ =	shalt  }
0x72: {  	_ =	shalt  }
0x73: {  	_ =	shalt  }
0x74: {  	_ =	shalt  }
0x75: {  	_ =	shalt  }
0x76: {  	_ =	shalt  }
0x77: {  	_ =	shalt  }
0x78: {  	_ =	shalt  }
0x79: {  	_ =	shalt  }
0x7a: {  	_ =	shalt  }
0x7b: {  	_ =	shalt  }
0x7c: {  	_ =	shalt  }
0x7d: {  	_ =	shalt  }
0x7e: {  	_ =	shalt  }
0x7f: {  	_ =	shalt  }
0x80: {  	_ =	shalt  }
0x81: {  	_ =	shalt  }
0x82: {  	_ =	shalt  }
0x83: {  	_ =	shalt  }
0x84: {  	_ =	shalt  }
0x85: {  	_ =	shalt  }
0x86: {  	_ =	shalt  }
0x87: {  	_ =	shalt  }
.Lfunc_end0:
.L_simem_size_0:
called_computation_lowered:
.L_overlay_start_0:
0x88: {  	s2 =	sld [smem:$0x3FD9]  }
0x89: {  	s3 =	sld [smem:$0x3FFE];
	_ =	sdelay $0x1  }
0x8a: {  	s1 =	srdreg.scid  }
0x8b: {  	s0 =	sand.u32 $0x1, s1  }
0x8c: {  	s16 =	sshll.u32 s0, $0xA;
	s2 =	sadd.s32 s3, s2  }
0x8d: {  	s2 =	sadd.s32 s2, s16  }
0x8e: {  	[smem:$0x3FC4] =	sst s2  }
0x8f: {  	_ = 	snop  }
0x90: {  	s4 =	sld [smem:$0x3FD0];
	_ =	sdelay $0x1  }
0x91: {  	s2 =	sld [smem:$0x3FC9]  }
0x92: {  	s5 =	simm.s32 $0xB;
	s6 =	simm.s32 $0x10;
	s17 =	sld [smem:$0x3FC6]  }
0x93: {  	[smem:s6], [sflag:s5] =	dma.local [hbm:s4], $0x1  }
0x94: {  	_ =	swait.eq [sflag:s5], $0x1  }
0x95: {  	[sflag:s5] =	ssyncset.done $0x0  }
0x96: {  	[sflag:s5] =	ssyncadd.s32 $0xFFFFFFFF  }
0x97: {  	s18 =	sld [smem:$0x10];
	(tm) =	ssettm $0x1  }
0x98: {  	s19 =	sld [smem:$0x3FFB];
	_ =	sdelay $0x3  }
0x99: {  	_ =	strace s19  }
0x9a: {  	s4 =	sld [smem:$0x3FFC];
	_ =	sdelay $0x3  }
0x9b: {  	_ =	strace s4  }
0x9c: {  	s4 =	sld [smem:$0x3FFD];
	_ =	sdelay $0x3  }
0x9d: {  	_ =	strace s4  }
0x9e: {  	_ =	strace $0x8FFFFFFF  }
0x9f: {  	s20 =	sld [smem:$0x3FDB];
	_ =	sdelay $0x1  }
0xa0: {  	s21 =	simm.s32 $_scs_section_size  }
0xa1: {  	s7 =	simm.s32 $_size__tile_overlayer_lowered;
	s8 =	simm.s32 $_tile_overlayer_lowered  }
0xa2: {  	s9 =	simm.s32 $0x1BFF;
	s22 =	sshll.u32 s8, $0x1;
	s6 =	sadd.s32 s21, s20  }
0xa3: {  	s23 =	simm.s32 $0x0;
	s7 =	sshll.u32 s7, $0x1;
	s8 =	sadd.s32 s22, s6  }
0xa4: {  	[timem:s23], [sflag:s9] =	dma.local [hbm:s8], s7  }
0xa5: {  	_ =	swait.ge [sflag:s9], s7  }
0xa6: {  	s7 =	ssub.s32 $0x0, s7;
	[sflag:s9] =	ssyncset.done $0x0  }
0xa7: {  	[sflag:s9] =	ssyncadd.s32 s7;
	_ =	sdelay $0x1  }
0xa8: {  	s24 =	simm.s32 $0x1B8B  }
0xa9: {  	_ =	swait.ge [sflag:s24], $0x1  }
0xaa: {  	[sflag:s24] =	ssyncset.done $0x0  }
0xab: {  	[sflag:s24] =	ssyncadd.s32 $0xFFFFFFFF  }
0xac: {  	s7 =	sld [smem:$0x0]  }
0xad: {  	s8 =	sand.u32 $0xFFFFFFFE, s1  }
0xae: {  	p0 =	sne.s32 s1, s8  }
0xaf: {  	s8 =	sshll.u32 @p0 s8, $0xE  }
0xb0: {  	s8 =	sadd.s32 @p0 $0x11B8D, s8;
	s9 =	sshll.u32 @p0 s7, $0x11  }
0xb1: {  	s8 =	sor.u32 @p0 s9, s8  }
0xb2: {  	[sflag:s8] =	ssyncadd.remote.s32 @p0 $0x1;
	_ =	sdelay $0x1  }
0xb3: {  	s8 =	simm.s32 @p0 $0x1B8D  }
0xb4: {  	_ =	swait.eq @p0 [sflag:s8], $0x1  }
0xb5: {  	[sflag:s8] =	ssyncadd.s32 @p0 $0xFFFFFFFF  }
0xb6: {  	s9 =	sshll.u32 @!p0 s1, $0xE  }
0xb7: {  	s9 =	sor.u32 @!p0 $0x4000, s9;
	s8 =	simm.s32 @!p0 $0x1B8D  }
0xb8: {  	s7 =	sshll.u32 @!p0 s7, $0x11;
	s9 =	sadd.s32 @!p0 $0x11B8D, s9;
	_ =	swait.eq @!p0 [sflag:s8], $0x1  }
0xb9: {  	s7 =	sor.u32 @!p0 s7, s9;
	[sflag:s8] =	ssyncadd.s32 @!p0 $0xFFFFFFFF  }
0xba: {  	s25 =	simm.s32 $0x1B8E;
	[sflag:s7] =	ssyncadd.remote.s32 @!p0 $0x1  }
0xbb: {  	s26 =	simm.s32 $execute0_lowered;
	[smem:$0x3FD2] =	sst s25  }
0xbc: {  	s7 =	sshll.u32 s26, $0x1;
	_ =	strace $0x80000049;
	[dreg:$0x1] =	wrdreg $0xFFFFFFFF  }
0xbd: {  	s28 =	simm.s32 $_size_execute0_lowered;
	s6 =	sadd.s32 s6, s7;
	[dreg:$0x0] =	wrdreg $0x0  }
0xbe: {  	s7 =	sshll.u32 s28, $0x1;
	[dreg:$0x2] =	wrdreg s6  }
0xbf: {  	[dreg:$0x3] =	wrdreg s7  }
0xc0: {  	[dreg:$0x4] =	wrdreg $0xC0  }
0xc1: {  	_ =	task [dreg:s23], $0x5FFFF  }
0xc2: {  	[dreg:$0x1] =	wrdreg $0xFFFFFFFF  }
0xc3: {  	[dreg:$0x0] =	wrdreg $0x60  }
0xc4: {  	[dreg:$0x2] =	wrdreg s2  }
0xc5: {  	[dreg:$0x3] =	wrdreg s17  }
0xc6: {  	[dreg:$0x4] =	wrdreg s18  }
0xc7: {  	[dreg:$0x5] =	wrdreg $0x9  }
0xc8: {  	_ =	task.clear_ibuf [dreg:s23], $0x6FFFF;
	_ =	strace $0x90000049  }
0xc9: {  	s29 =	simm.s32 $0x9;
	_ =	strace $0x8000004B  }
0xca: {  	_ =	swait.ge [sflag:s29], $0x1  }
0xcb: {  	[sflag:s29] =	ssyncadd.s32 $0xFFFFFFFF  }
0xcc: {  	_ =	strace $0x9000004B  }
0xcd: {  	_ =	sfence  }
0xce: {  	s30 =	sld [smem:$0x0];
	_ =	sdelay $0x2  }
0xcf: {  	s31 =	sshll.u32 s1, $0xD;
	s1 =	sshrl.u32 s1, $0x2  }
0xd0: {  	s3 =	sand.u32 $0x4000, s31;
	s1 =	sadd.s32 s1, s30  }
0xd1: {  	s0 =	sor.u32 s3, s0;
	s1 =	sshll.u32 s1, $0x11  }
0xd2: {  	s0 =	sor.u32 s1, s0  }
0xd3: {  	s0 =	sadd.s32 $0x8F2B, s0  }
0xd4: {  	[sflag:s0] =	ssyncadd.remote.s32 $0x1  }
0xd5: {  	_ =	sfence.sel $0xFFFF  }
0xd6: {  	[dreg:$0x0] =	wrdreg $0xFFFFFFFF;
	(pc) =	sbr.abs _section_cstart, $3  }
0xd7: {  	[dreg:$0x1] =	wrdreg $0xFFFFFFFF  }
0xd8: {  	_ =	task.clear_ibuf [dreg:s23], $0x2FFFF;
	_ =	strace $0x9FFFFFFF  }
0xd9: {  	(tm) =	ssettm $0x7FFFFFFF  }
tec
execute0_lowered:
.L_overlay_start_1:
0x0: {  	(tag) =	ssettag $0x1  }
0x1: {  	s1 =	srdreg.scid  }
0x2: {  	s3 =	sand.u32 $0x1, s1  }
0x3: {  	s4 =	ssub.s32 $0x2, s3  }
0x4: {  	s8 =	sshrl.u32 s4, $0x1  }
0x5: {  	s4 =	ssub.s32 s4, s8  }
0x6: {  	s8 =	smax.u32 s4, $0x1  }
0x7: {  	s5 =	rddreg [dreg:$0x0];
	s0 =	stileid.u32;
	s17 =	sadd.s32 $0xFFFFFFFF, s8  }
0x8: {  	s2 =	rddreg [dreg:$0x1];
	s6 =	sshll.u32 s0, $0x1;
	p2 =	sne.s32 s17, $0x0  }
.Ltmp0:
0x9: {  	s7 =	rddreg [dreg:$0x2];
	s9 =	sor.u32 s3, s6;
	(pc) =	sbr.rel @!p2 .LBB2_3-.Ltmp0, $4  }
0xa: {  	s30 =	simm.s32 $0x0;
	s1 =	rddreg [dreg:$0x3];
	s6 =	smul.u32 $0x27, s9  }
0xb: {  	p1 =	por $0x0, $0x0;
	[smem:$0x7FF] =	sst s30;
	s31 =	smul.u32 $0x1380, s9  }
0xc: {  	_ =	strace $0x8000004A;
	p0 =	seq.s32 s9, $0x1F;
	s4 =	sadd.s32 s5, s6  }
0xd: {  	s3 =	sadd.s32 s7, s31;
	s6 =	sadd.s32 $0x4B9, s5;
	s5 =	sadd.s32 $0x25C80, s7  }
0xe: {  	s7 =	simm.s32 @p0 $0x0;
	s8 =	simm.s32 @p0 $0x2  }
0xf: {  	[tilespmem:s7], [sflag:$0x2] =	stream.linear.gather @p0 [hbm4b:s6+s7], $0x148, $0x38;
	[tilespmem:$0xA580] =	vst v63  }
0x10: {  	_ =	swait.ge @p0 [sflag:s8], $0x148  }
0x11: {  	s9 =	simm.s32 @p0 $0x1;
	[sflag:s8] =	ssyncset.done @p0 $0x0  }
0x12: {  	s10 =	simm.s32 @p0 $0x148;
	s11 =	simm.s32 @p0 $0x180;
	[sflag:s8] =	ssyncadd.s32 @p0 $0xFFFFFEB8  }
0x13: {  	[tilespmem:s11], [sflag:$0x1] =	stream.indirect.gather @p0 [hbm4b:s2+s10], $0x80, s7, s10, $0xb8;
	[tilespmem:$0xA580] =	vst v63  }
0x14: {  	_ =	swait.ge @p0 [sflag:s9], $0xA400  }
0x15: {  	[sflag:s9] =	ssyncset.done @p0 $0x0  }
0x16: {  	[sflag:s9] =	ssyncadd.s32 @p0 $0xFFFF5C00  }
0x17: {  	[hbm4b:s5+s7] =	stream.linear.scatter @p0 [tilespmem:s11], [sflag:$0x2], $0xA400, $0x38;
	[tilespmem:$0xA580] =	vst v63  }
0x18: {  	_ =	swait.ge @p0 [sflag:s8], $0xA400  }
0x19: {  	[sflag:s8] =	ssyncset.done @p0 $0x0  }
0x1a: {  	s13 =	simm.s32 @!p0 $0x0;
	s12 =	simm.s32 @!p0 $0x2;
	[sflag:s8] =	ssyncadd.s32 @p0 $0xFFFF5C00  }
0x1b: {  	[tilespmem:s13], [sflag:$0x2] =	stream.linear.gather @!p0 [hbm4b:s4+s13], $0x138, $0x38;
	[tilespmem:$0xA580] =	vst v63  }
0x1c: {  	_ =	swait.ge @!p0 [sflag:s12], $0x138  }
0x1d: {  	s14 =	simm.s32 @!p0 $0x1;
	s15 =	simm.s32 @!p0 $0x138;
	[sflag:s12] =	ssyncset.done @!p0 $0x0  }
0x1e: {  	s16 =	simm.s32 @!p0 $0x180;
	s17 =	sadd.s32 $0xFFFFFFFF, s17;
	[sflag:s12] =	ssyncadd.s32 @!p0 $0xFFFFFEC8  }
0x1f: {  	[tilespmem:s16], [sflag:$0x1] =	stream.indirect.gather @!p0 [hbm4b:s2+s15], $0x80, s13, s15, $0xb8;
	[tilespmem:$0xA580] =	vst v63  }
0x20: {  	p2 =	sne.s32 s17, $0x0;
	_ =	swait.ge @!p0 [sflag:s14], $0x9C00  }
.Ltmp1:
0x21: {  	[sflag:s14] =	ssyncset.done @!p0 $0x0;
	(pc) =	sbr.rel @!p2 .LBB2_3-.Ltmp1, $4  }
0x22: {  	[sflag:s14] =	ssyncadd.s32 @!p0 $0xFFFF6400  }
0x23: {  	[hbm4b:s3+s13] =	stream.linear.scatter @!p0 [tilespmem:s16], [sflag:$0x2], $0x9C00, $0x38;
	[tilespmem:$0xA580] =	vst v63  }
0x24: {  	_ =	swait.ge @!p0 [sflag:s12], $0x9C00  }
0x25: {  	p1 =	por $0x1, $0x1;
	[sflag:s12] =	ssyncset.done @!p0 $0x0  }
.LBB2_2:
0x26: {  	[sflag:s12] =	ssyncadd.s32 @!p0 $0xFFFF6400  }
0x27: {  	[tilespmem:s7], [sflag:$0x2] =	stream.linear.gather @p0 [hbm4b:s6+s7], $0x148, $0x38;
	[tilespmem:$0xA580] =	vst v63  }
0x28: {  	s17 =	sadd.s32 $0xFFFFFFFF, s17;
	_ =	swait.ge @p0 [sflag:s8], $0x148  }
0x29: {  	p2 =	sne.s32 s17, $0x0;
	[sflag:s8] =	ssyncset.done @p0 $0x0  }
0x2a: {  	[sflag:s8] =	ssyncadd.s32 @p0 $0xFFFFFEB8  }
0x2b: {  	[tilespmem:s11], [sflag:$0x1] =	stream.indirect.gather @p0 [hbm4b:s2+s10], $0x80, s7, s10, $0xb8;
	[tilespmem:$0xA580] =	vst v63  }
0x2c: {  	_ =	swait.ge @p0 [sflag:s9], $0xA400  }
0x2d: {  	[sflag:s9] =	ssyncset.done @p0 $0x0  }
0x2e: {  	[sflag:s9] =	ssyncadd.s32 @p0 $0xFFFF5C00  }
0x2f: {  	[hbm4b:s5+s7] =	stream.linear.scatter @p0 [tilespmem:s11], [sflag:$0x2], $0xA400, $0x38;
	[tilespmem:$0xA580] =	vst v63  }
0x30: {  	_ =	swait.ge @p0 [sflag:s8], $0xA400  }
0x31: {  	[sflag:s8] =	ssyncset.done @p0 $0x0  }
0x32: {  	[sflag:s8] =	ssyncadd.s32 @p0 $0xFFFF5C00  }
0x33: {  	[tilespmem:s13], [sflag:$0x2] =	stream.linear.gather @!p0 [hbm4b:s4+s13], $0x138, $0x38;
	[tilespmem:$0xA580] =	vst v63  }
0x34: {  	_ =	swait.ge @!p0 [sflag:s12], $0x138  }
0x35: {  	[sflag:s12] =	ssyncset.done @!p0 $0x0  }
0x36: {  	[sflag:s12] =	ssyncadd.s32 @!p0 $0xFFFFFEC8  }
0x37: {  	[tilespmem:s16], [sflag:$0x1] =	stream.indirect.gather @!p0 [hbm4b:s2+s15], $0x80, s13, s15, $0xb8;
	[tilespmem:$0xA580] =	vst v63  }
0x38: {  	_ =	swait.ge @!p0 [sflag:s14], $0x9C00  }
.Ltmp2:
0x39: {  	[sflag:s14] =	ssyncset.done @!p0 $0x0;
	(pc) =	sbr.rel @p2 .LBB2_2-.Ltmp2, $4  }
0x3a: {  	[sflag:s14] =	ssyncadd.s32 @!p0 $0xFFFF6400  }
0x3b: {  	[hbm4b:s3+s13] =	stream.linear.scatter @!p0 [tilespmem:s16], [sflag:$0x2], $0x9C00, $0x38;
	[tilespmem:$0xA580] =	vst v63  }
0x3c: {  	_ =	swait.ge @!p0 [sflag:s12], $0x9C00  }
0x3d: {  	[sflag:s12] =	ssyncset.done @!p0 $0x0  }
.LBB2_3:
0x3e: {  	p1 =	por p0, !p1  }
0x3f: {  	s7 =	simm.s32 @p0 $0x0;
	s8 =	simm.s32 @p0 $0x2;
	[sflag:s12] =	ssyncadd.s32 @!p1 $0xFFFF6400  }
0x40: {  	[tilespmem:s7], [sflag:$0x2] =	stream.linear.gather @p0 [hbm4b:s6+s7], $0x148, $0x38;
	[tilespmem:$0xA580] =	vst v63  }
0x41: {  	_ =	swait.ge @p0 [sflag:s8], $0x148  }
0x42: {  	s9 =	simm.s32 @p0 $0x148;
	[sflag:s8] =	ssyncset.done @p0 $0x0  }
0x43: {  	s10 =	simm.s32 @p0 $0x180;
	s6 =	simm.s32 @p0 $0x1;
	[sflag:s8] =	ssyncadd.s32 @p0 $0xFFFFFEB8  }
0x44: {  	[tilespmem:s10], [sflag:$0x1] =	stream.indirect.gather @p0 [hbm4b:s2+s9], $0x80, s7, s9, $0xb8;
	[tilespmem:$0xA580] =	vst v63  }
0x45: {  	_ =	swait.ge @p0 [sflag:s6], $0xA400  }
0x46: {  	[sflag:s6] =	ssyncset.done @p0 $0x0  }
0x47: {  	[sflag:s6] =	ssyncadd.s32 @p0 $0xFFFF5C00  }
0x48: {  	[hbm4b:s5+s7] =	stream.linear.scatter @p0 [tilespmem:s10], [sflag:$0x2], $0xA400, $0x38;
	[tilespmem:$0xA580] =	vst v63  }
0x49: {  	_ =	swait.ge @p0 [sflag:s8], $0xA400  }
0x4a: {  	[sflag:s8] =	ssyncset.done @p0 $0x0  }
0x4b: {  	s6 =	simm.s32 @!p0 $0x2;
	s5 =	simm.s32 @!p0 $0x0;
	[sflag:s8] =	ssyncadd.s32 @p0 $0xFFFF5C00  }
0x4c: {  	[tilespmem:s5], [sflag:$0x2] =	stream.linear.gather @!p0 [hbm4b:s4+s5], $0x138, $0x38;
	[tilespmem:$0xA580] =	vst v63  }
0x4d: {  	_ =	swait.ge @!p0 [sflag:s6], $0x138  }
0x4e: {  	s7 =	simm.s32 @!p0 $0x138;
	[sflag:s6] =	ssyncset.done @!p0 $0x0  }
0x4f: {  	s8 =	simm.s32 @!p0 $0x180;
	s4 =	simm.s32 @!p0 $0x1;
	[sflag:s6] =	ssyncadd.s32 @!p0 $0xFFFFFEC8  }
0x50: {  	[tilespmem:s8], [sflag:$0x1] =	stream.indirect.gather @!p0 [hbm4b:s2+s7], $0x80, s5, s7, $0xb8;
	[tilespmem:$0xA580] =	vst v63  }
0x51: {  	_ =	swait.ge @!p0 [sflag:s4], $0x9C00  }
0x52: {  	[sflag:s4] =	ssyncset.done @!p0 $0x0  }
0x53: {  	[sflag:s4] =	ssyncadd.s32 @!p0 $0xFFFF6400  }
0x54: {  	[hbm4b:s3+s5] =	stream.linear.scatter @!p0 [tilespmem:s8], [sflag:$0x2], $0x9C00, $0x38;
	[tilespmem:$0xA580] =	vst v63  }
0x55: {  	_ =	swait.ge @!p0 [sflag:s6], $0x9C00  }
0x56: {  	[sflag:s6] =	ssyncset.done @!p0 $0x0  }
0x57: {  	[sflag:s6] =	ssyncadd.s32 @!p0 $0xFFFF6400  }
0x58: {  	_ =	sfence.sel $0x180000  }
0x59: {  	[bflag:$0x0] =	sbarrier.arrive $0xFFFF  }
0x5a: {  	p0 =	sne.s32 s0, $0x0;
	_ =	strace $0x9000004A  }
0x5b: {  	s0 =	sadd.s32 @!p0 $0x100000, s1;
	[bflag:$0x2] =	sbarrier.arrive $0xFFFF  }
0x5c: {  	[sflag:s0] =	ssyncadd.tile.s32 @!p0 $0x1;
	_ =	shalt  }
.Lfunc_end2:
_tile_overlayer_lowered:
.L_overlay_start_2:
0x5d: {  	(tag) =	ssettag $0x2  }
0x5e: {  	s0 =	rddreg [dreg:$0x0];
	s2 =	stileid.u32  }
0x5f: {  	s1 =	rddreg [dreg:$0x1];
	p0 =	sne.s32 s2, $0x0  }
0x60: {  	s3 =	rddreg [dreg:$0x2];
	[bflag:$0x3] =	sbarrier.arrive $0xFFFF;
	s2 =	simm.s32 @!p0 $0x1C02  }
0x61: {  	[timem:s3], [sflag:s2] =	dma.local @!p0 [hbm:s0], s1  }
0x62: {  	s0 =	simm.s32 @!p0 $0x2  }
0x63: {  	_ =	swait.ge @!p0 [sflag:s0], s1  }
0x64: {  	s1 =	ssub.s32 @!p0 $0x0, s1;
	[sflag:s0] =	ssyncset.done @!p0 $0x0  }
0x65: {  	[sflag:s0] =	ssyncadd.s32 @!p0 s1  }
0x66: {  	[bflag:$0x3] =	sbarrier.arrive $0xFFFF  }
0x67: {  	_ =	shalt  }

// kernel: kernel.8.cloned.1.call-start
scs
__scs_entry_jumppad:
0x0: {  	(pc) =	sbr.rel $0x88, $3  }
0x1: {  	(tag) =	ssettag $0x0;
	lr =	simm.s32 $0x1  }
0x2: {  	[smem:$0x3F9D] =	sst lr;
	_ =	strace $0xD0000000  }
0x3: {  	_ = 	snop  }
0x4: {  	_ = 	snop  }
0x5: {  	_ = 	snop  }
0x6: {  	_ = 	snop  }
0x7: {  	_ = 	snop  }
__scs_overlays_trampoline_lowered:
0x8: {  	[smem:$0x3FAC] =	sst s0  }
0x9: {  	[smem:$0x3FAD] =	sst s1  }
0xa: {  	[smem:$0x3FAE] =	sst s2  }
0xb: {  	[smem:$0x3FAF] =	sst s3  }
0xc: {  	[smem:$0x3FB0] =	sst s4  }
0xd: {  	[smem:$0x3FB1] =	sst s5  }
0xe: {  	[smem:$0x3FB2] =	sst s6  }
0xf: {  	[smem:$0x3FB3] =	sst s7  }
0x10: {  	[smem:$0x3FB4] =	sst s8  }
0x11: {  	[smem:$0x3FB5] =	sst s9;
	s0 =	simm.s32 @!p0 $0x0  }
0x12: {  	s1 =	sld [smem:$0x3F9B];
	s0 =	simm.s32 @p0 $0x1  }
0x13: {  	[smem:$0x3FB6] =	sst s0;
	s0 =	simm.s32 @!p1 $0x0  }
0x14: {  	s2 =	sld [smem:$0x3F9A];
	s0 =	simm.s32 @p1 $0x1  }
0x15: {  	[smem:$0x3FB7] =	sst s0;
	s0 =	simm.s32 @!p2 $0x0  }
0x16: {  	s3 =	sld [smem:$0x3FDB];
	s0 =	simm.s32 @p2 $0x1  }
0x17: {  	s4 =	simm.s32 $0x1BF5;
	[smem:$0x3FB9] =	sst s0  }
0x18: {  	s0 =	sld [smem:$0x3F9C];
	_ =	swait.ge [sflag:s4], $0x0  }
0x19: {  	s7 =	sld [smem:$0x3F9D]  }
0x1a: {  	s8 =	sadd.s32 $0xFFFFE003, lr  }
0x1b: {  	s9 =	sadd.s32 $0xFFFFFEF7, lr;
	s5 =	simm.s32 $0xFFFFFFFF;
	p2 =	slt.u32 s8, $0xFFFFF086  }
0x1c: {  	p1 =	slt.u32 s9, $0xF7A;
	s5 =	simm.s32 @!p2 $0x0  }
0x1d: {  	s5 =	simm.s32 @p1 $0x1;
	p0 =	seq.s32 s7, s2  }
0x1e: {  	s7 =	smul.u32 @!p0 $0xF7A, s2;
	p2 =	seq.s32 @!p0 s5, $0x0  }
0x1f: {  	s9 =	smul.u32 $0xF7A, s1;
	s8 =	simm.s32 @!p0 $0x1BF5;
	p2 =	por !p2, p0  }
0x20: {  	[sflag:s8] =	ssyncset.s32 @!p0 $0xFFFFF086;
	s6 =	sadd.s32 @!p0 s3, s7;
	s7 =	simm.s32 @!p0 $0x108  }
0x21: {  	s3 =	sadd.s32 s3, s9;
	s6 =	sadd.s32 @!p0 $0x88, s6;
	s7 =	simm.s32 @p2 $0x1082  }
0x22: {  	[simem:s7], [sflag:s8] =	dma.local @!p0 [hbm:s6], $0xF7A  }
0x23: {  	s9 =	sor.u32 $0xD0000000, s2;
	s6 =	simm.s32 $0x108;
	_ =	swait.ge @!p0 [sflag:s8], $0x0  }
0x24: {  	s3 =	sadd.s32 $0x88, s3;
	s6 =	simm.s32 @!p1 $0x1082;
	[sflag:s4] =	ssyncset.s32 $0xFFFFF086  }
0x25: {  	[simem:s6], [sflag:s4] =	dma.local [hbm:s3], $0xF7A  }
0x26: {  	[smem:$0x3F9D] =	sst s1;
	(tag) =	ssettag s2;
	_ =	strace s9  }
0x27: {  	s1 =	sld [smem:$0x3FAD]  }
0x28: {  	s2 =	sld [smem:$0x3FAE]  }
0x29: {  	s4 =	sld [smem:$0x3FB0]  }
0x2a: {  	p0 =	seq.s32 s5, $0x0;
	s5 =	sld [smem:$0x3FB1]  }
0x2b: {  	s6 =	sld [smem:$0x3FB2]  }
0x2c: {  	s7 =	sld [smem:$0x3FB3]  }
0x2d: {  	s3 =	simm.s32 $0x108;
	s8 =	sld [smem:$0x3FB4]  }
0x2e: {  	s3 =	simm.s32 @!p0 $0x1082;
	s9 =	sld [smem:$0x3FB5]  }
0x2f: {  	lr =	sadd.s32 s0, s3;
	s0 =	sld [smem:$0x3FAC]  }
0x30: {  	s3 =	sld [smem:$0x3FAF]  }
0x31: {  	[smem:$0x3FB8] =	sst s10  }
0x32: {  	s10 =	sld [smem:$0x3FB6];
	_ =	sdelay $0x3  }
0x33: {  	p0 =	seq.s32 s10, $0x1;
	s10 =	sld [smem:$0x3FB8];
	_ =	sdelay $0x3  }
0x34: {  	[smem:$0x3FB8] =	sst s10  }
0x35: {  	s10 =	sld [smem:$0x3FB7];
	_ =	sdelay $0x3  }
0x36: {  	p1 =	seq.s32 s10, $0x1;
	s10 =	sld [smem:$0x3FB8];
	_ =	sdelay $0x3  }
0x37: {  	[smem:$0x3FB8] =	sst s10  }
0x38: {  	s10 =	sld [smem:$0x3FB9]  }
0x39: {  	_ = 	snop;
	(pc) =	sbr.ind lr, $3  }
0x3a: {  	_ = 	snop  }
0x3b: {  	_ = 	snop  }
0x3c: {  	p2 =	seq.s32 s10, $0x1;
	s10 =	sld [smem:$0x3FB8]  }
0x3d: {  	_ =	shalt  }
0x3e: {  	_ =	shalt  }
0x3f: {  	_ =	shalt  }
0x40: {  	_ =	shalt  }
0x41: {  	_ =	shalt  }
0x42: {  	_ =	shalt  }
0x43: {  	_ =	shalt  }
0x44: {  	_ =	shalt  }
0x45: {  	_ =	shalt  }
0x46: {  	_ =	shalt  }
0x47: {  	_ =	shalt  }
0x48: {  	_ =	shalt  }
0x49: {  	_ =	shalt  }
0x4a: {  	_ =	shalt  }
0x4b: {  	_ =	shalt  }
0x4c: {  	_ =	shalt  }
0x4d: {  	_ =	shalt  }
0x4e: {  	_ =	shalt  }
0x4f: {  	_ =	shalt  }
0x50: {  	_ =	shalt  }
0x51: {  	_ =	shalt  }
0x52: {  	_ =	shalt  }
0x53: {  	_ =	shalt  }
0x54: {  	_ =	shalt  }
0x55: {  	_ =	shalt  }
0x56: {  	_ =	shalt  }
0x57: {  	_ =	shalt  }
0x58: {  	_ =	shalt  }
0x59: {  	_ =	shalt  }
0x5a: {  	_ =	shalt  }
0x5b: {  	_ =	shalt  }
0x5c: {  	_ =	shalt  }
0x5d: {  	_ =	shalt  }
0x5e: {  	_ =	shalt  }
0x5f: {  	_ =	shalt  }
0x60: {  	_ =	shalt  }
0x61: {  	_ =	shalt  }
0x62: {  	_ =	shalt  }
0x63: {  	_ =	shalt  }
0x64: {  	_ =	shalt  }
0x65: {  	_ =	shalt  }
0x66: {  	_ =	shalt  }
0x67: {  	_ =	shalt  }
0x68: {  	_ =	shalt  }
0x69: {  	_ =	shalt  }
0x6a: {  	_ =	shalt  }
0x6b: {  	_ =	shalt  }
0x6c: {  	_ =	shalt  }
0x6d: {  	_ =	shalt  }
0x6e: {  	_ =	shalt  }
0x6f: {  	_ =	shalt  }
0x70: {  	_ =	shalt  }
0x71: {  	_ =	shalt  }
0x72: {  	_ =	shalt  }
0x73: {  	_ =	shalt  }
0x74: {  	_ =	shalt  }
0x75: {  	_ =	shalt  }
0x76: {  	_ =	shalt  }
0x77: {  	_ =	shalt  }
0x78: {  	_ =	shalt  }
0x79: {  	_ =	shalt  }
0x7a: {  	_ =	shalt  }
0x7b: {  	_ =	shalt  }
0x7c: {  	_ =	shalt  }
0x7d: {  	_ =	shalt  }
0x7e: {  	_ =	shalt  }
0x7f: {  	_ =	shalt  }
0x80: {  	_ =	shalt  }
0x81: {  	_ =	shalt  }
0x82: {  	_ =	shalt  }
0x83: {  	_ =	shalt  }
0x84: {  	_ =	shalt  }
0x85: {  	_ =	shalt  }
0x86: {  	_ =	shalt  }
0x87: {  	_ =	shalt  }
.Lfunc_end0:
.L_simem_size_0:
called_computation.1_lowered:
.L_overlay_start_0:
0x88: {  	s2 =	sld [smem:$0x3FD9]  }
0x89: {  	s3 =	sld [smem:$0x3FFE];
	_ =	sdelay $0x1  }
0x8a: {  	s1 =	srdreg.scid  }
0x8b: {  	s0 =	sand.u32 $0x1, s1  }
0x8c: {  	s14 =	sshll.u32 s0, $0xA;
	s2 =	sadd.s32 s3, s2  }
0x8d: {  	s2 =	sadd.s32 s2, s14  }
0x8e: {  	[smem:$0x3FC4] =	sst s2  }
0x8f: {  	_ = 	snop  }
0x90: {  	s2 =	sld [smem:$0x3FD0];
	_ =	sdelay $0x2  }
0x91: {  	s4 =	simm.s32 $0xB;
	s5 =	simm.s32 $0x10;
	s15 =	sld [smem:$0x3FC7]  }
0x92: {  	[smem:s5], [sflag:s4] =	dma.local [hbm:s2], $0x1  }
0x93: {  	_ =	swait.eq [sflag:s4], $0x1  }
0x94: {  	s16 =	sld [smem:$0x11];
	[sflag:s4] =	ssyncset.done $0x0  }
0x95: {  	s17 =	sld [smem:$0x12];
	[sflag:s4] =	ssyncadd.s32 $0xFFFFFFFF  }
0x96: {  	s18 =	sld [smem:$0x13];
	(tm) =	ssettm $0x1  }
0x97: {  	s6 =	sld [smem:$0x3FFB];
	_ =	sdelay $0x3  }
0x98: {  	_ =	strace s6  }
0x99: {  	s6 =	sld [smem:$0x3FFC];
	_ =	sdelay $0x3  }
0x9a: {  	_ =	strace s6  }
0x9b: {  	s6 =	sld [smem:$0x3FFD];
	_ =	sdelay $0x3  }
0x9c: {  	_ =	strace s6  }
0x9d: {  	_ =	strace $0x8FFFFFFF  }
0x9e: {  	s19 =	sld [smem:$0x3FDB];
	_ =	sdelay $0x1  }
0x9f: {  	s7 =	simm.s32 $_scs_section_size  }
0xa0: {  	s8 =	simm.s32 $_size__tile_overlayer_lowered;
	s9 =	simm.s32 $_tile_overlayer_lowered  }
0xa1: {  	s22 =	simm.s32 $0x1BFF;
	s21 =	sshll.u32 s9, $0x1;
	s6 =	sadd.s32 s7, s19  }
0xa2: {  	s10 =	simm.s32 $0x0;
	s20 =	sshll.u32 s8, $0x1;
	s8 =	sadd.s32 s21, s6  }
0xa3: {  	[timem:s10], [sflag:s22] =	dma.local [hbm:s8], s20  }
0xa4: {  	_ =	swait.ge [sflag:s22], s20  }
0xa5: {  	s7 =	ssub.s32 $0x0, s20;
	[sflag:s22] =	ssyncset.done $0x0  }
0xa6: {  	[sflag:s22] =	ssyncadd.s32 s7;
	_ =	sdelay $0x1  }
0xa7: {  	s23 =	simm.s32 $0x1B8B  }
0xa8: {  	_ =	swait.ge [sflag:s23], $0x1  }
0xa9: {  	[sflag:s23] =	ssyncset.done $0x0  }
0xaa: {  	s25 =	simm.s32 $0x1B8E;
	s24 =	sld [smem:$0x3FFE];
	[sflag:s23] =	ssyncadd.s32 $0xFFFFFFFF  }
0xab: {  	s26 =	simm.s32 $execute0_lowered;
	[smem:$0x3FD2] =	sst s25  }
0xac: {  	s8 =	sshll.u32 s26, $0x1;
	_ =	strace $0x80000046;
	[dreg:$0x1] =	wrdreg $0xFFFFFFFF  }
0xad: {  	s28 =	simm.s32 $_size_execute0_lowered;
	s6 =	sadd.s32 s6, s8;
	[dreg:$0x0] =	wrdreg $0x0  }
0xae: {  	s8 =	sshll.u32 s28, $0x1;
	[dreg:$0x2] =	wrdreg s6  }
0xaf: {  	[dreg:$0x3] =	wrdreg s8  }
0xb0: {  	[dreg:$0x4] =	wrdreg $0xC0  }
0xb1: {  	_ =	task [dreg:s10], $0x5FFFF  }
0xb2: {  	[dreg:$0x1] =	wrdreg $0xFFFFFFFF  }
0xb3: {  	[dreg:$0x0] =	wrdreg $0x60  }
0xb4: {  	[dreg:$0x2] =	wrdreg s15  }
0xb5: {  	[dreg:$0x3] =	wrdreg s24  }
0xb6: {  	[dreg:$0x4] =	wrdreg s17  }
0xb7: {  	[dreg:$0x5] =	wrdreg s18  }
0xb8: {  	[dreg:$0x6] =	wrdreg s16  }
0xb9: {  	[dreg:$0x7] =	wrdreg $0xA  }
0xba: {  	_ =	task.clear_ibuf [dreg:s10], $0x8FFFF;
	_ =	strace $0x90000046  }
0xbb: {  	s29 =	simm.s32 $0xA;
	_ =	strace $0x80000048  }
0xbc: {  	_ =	swait.ge [sflag:s29], $0x1  }
0xbd: {  	[sflag:s29] =	ssyncadd.s32 $0xFFFFFFFF  }
0xbe: {  	_ =	strace $0x90000048  }
0xbf: {  	_ =	sfence  }
0xc0: {  	s30 =	sld [smem:$0x0];
	_ =	sdelay $0x2  }
0xc1: {  	s31 =	sshll.u32 s1, $0xD;
	s1 =	sshrl.u32 s1, $0x2  }
0xc2: {  	s3 =	sand.u32 $0x4000, s31;
	s1 =	sadd.s32 s1, s30  }
0xc3: {  	s0 =	sor.u32 s3, s0;
	s1 =	sshll.u32 s1, $0x11  }
0xc4: {  	s0 =	sor.u32 s1, s0  }
0xc5: {  	s0 =	sadd.s32 $0x8F2B, s0  }
0xc6: {  	[sflag:s0] =	ssyncadd.remote.s32 $0x1  }
0xc7: {  	_ =	sfence.sel $0xFFFF  }
0xc8: {  	[dreg:$0x0] =	wrdreg $0xFFFFFFFF;
	(pc) =	sbr.abs _section_cstart, $3  }
0xc9: {  	[dreg:$0x1] =	wrdreg $0xFFFFFFFF  }
0xca: {  	_ =	task.clear_ibuf [dreg:s10], $0x2FFFF;
	_ =	strace $0x9FFFFFFF  }
0xcb: {  	(tm) =	ssettm $0x7FFFFFFF  }
tec
execute0_lowered:
.L_overlay_start_1:
0x0: {  	(tag) =	ssettag $0x1  }
0x1: {  	s8 =	rddreg [dreg:$0x0]  }
0x2: {  	s3 =	rddreg [dreg:$0x1]  }
0x3: {  	s9 =	rddreg [dreg:$0x2]  }
0x4: {  	s10 =	rddreg [dreg:$0x3]  }
0x5: {  	s11 =	rddreg [dreg:$0x4]  }
0x6: {  	s0 =	rddreg [dreg:$0x5]  }
0x7: {  	s4 =	srdreg.scid;
	s1 =	stileid.u32  }
0x8: {  	s2 =	simm.s32 $0x0;
	s16 =	simm.s32 $0xC380;
	s17 =	simm.s32 $0xEA80  }
0x9: {  	s18 =	simm.s32 $0x11180;
	s19 =	simm.s32 $0x0;
	s4 =	sand.u32 $0x1, s4  }
0xa: {  	s5 =	sshll.u32 s1, $0x1;
	[smem:$0x7FF] =	sst s2;
	s3 =	sadd.s32 $0x1400, s3  }
0xb: {  	p0 =	sgt.u32 s1, $0x1;
	s5 =	sor.u32 s4, s5;
	s4 =	ssub.s32 $0x2, s4  }
0xc: {  	_ =	strace $0x80000047;
	s6 =	smul.u32 $0x9C0, s5;
	s7 =	sshrl.u32 s4, $0x1  }
0xd: {  	s12 =	smul.u32 $0x4E0, s5;
	s14 =	sor.u32 $0x9C0, s5;
	s13 =	ssub.s32 s4, s7  }
.Ltmp0:
0xe: {  	s15 =	sshll.u32 s14, $0x5;
	s31 =	sshll.u32 s14, $0x4;
	(pc) =	sbr.rel .LBB2_1-.Ltmp0, $4  }
0xf: {  	s14 =	simm.s32 $0x7580;
	s4 =	sadd.s32 s8, s6;
	s5 =	sadd.s32 s9, s12  }
0x10: {  	s6 =	sadd.s32 s10, s12;
	s7 =	sadd.s32 s11, s12;
	s8 =	sadd.s32 s8, s15  }
0x11: {  	s9 =	sadd.s32 s9, s31;
	s10 =	sadd.s32 s10, s31;
	s11 =	sadd.s32 s11, s31  }
0x12: {  	s12 =	smax.u32 s13, $0x1;
	s13 =	simm.s32 $0x1;
	s15 =	simm.s32 $0x2  }
.LBB2_5:
0x13: {  	s19 =	sadd.s32 $0x1, s19  }
0x14: {  	p1 =	sne.s32 s19, s12  }
.Ltmp1:
0x15: {  	_ = 	snop;
	(pc) =	sbr.rel @!p1 .LBB2_6-.Ltmp1, $1  }
0x16: {  	_ =	sdelay $0x3  }
.LBB2_1:
0x17: {  	[tilespmem:s2], [sflag:$0x1] =	stream.linear.gather [hbm4b:s3+s2], $0x7580, $0x38;
	[tilespmem:$0x13880] =	vst v63  }
0x18: {  	_ =	swait.ge [sflag:s13], $0x7580  }
0x19: {  	[sflag:s13] =	ssyncset.done $0x0  }
0x1a: {  	[sflag:s13] =	ssyncadd.s32 $0xFFFF8A80  }
0x1b: {  	[tilespmem:s14], [sflag:$0x2] =	stream.linear.gather [hbm4b:s4+s2], $0x4E00, $0x38;
	[tilespmem:$0x13880] =	vst v63  }
0x1c: {  	_ =	swait.ge [sflag:s15], $0x4E00  }
0x1d: {  	[sflag:s15] =	ssyncset.done $0x0  }
0x1e: {  	s20 =	simm.s32 $0x7600;
	[sflag:s15] =	ssyncadd.s32 $0xFFFFB200  }
0x1f: {  	v1 =	vld [tilespmem:s20+$0x70]  }
0x20: {  	v14 =	vld [tilespmem:s20+$0x30]  }
0x21: {  	v0 =	vld [tilespmem:s20+$0xFFFFFFA0]  }
0x22: {  	v17 =	vld [tilespmem:s20+$0xFFFFFFB0]  }
0x23: {  	v4 =	vld [tilespmem:s20+$0xFFFFFF80]  }
0x24: {  	v7 =	vld [tilespmem:s20+$0x50]  }
0x25: {  	v8 =	vld [tilespmem:s20+$0xFFFFFFF0]  }
0x26: {  	v12 =	vld [tilespmem:s20+$0x60]  }
0x27: {  	v15 =	vld [tilespmem:s20+$0xFFFFFFE0]  }
0x28: {  	v3 =	vld [tilespmem:s20+$0x0]  }
0x29: {  	v24 =	vld [tilespmem:s20+$0x40]  }
0x2a: {  	v10 =	vld [tilespmem:s20+$0xFFFFFFC0]  }
0x2b: {  	v20 =	vld [tilespmem:s20+$0x20]  }
0x2c: {  	v13 =	vld.idx.msk [tilespmem:v1+s2+$0x0], $0xffff  }
0x2d: {  	v21 =	vld.idx.msk [tilespmem:v8+s2+$0x0], $0xffff  }
0x2e: {  	v2 =	vadd.s32 $0x4E20, v1;
	v26 =	vld.idx.msk [tilespmem:v12+s2+$0x0], $0xffff  }
0x2f: {  	v5 =	vadd.s32 $0x2710, v1;
	v27 =	vld.idx.msk [tilespmem:v15+s2+$0x0], $0xffff  }
0x30: {  	v32 =	vld.idx.msk [tilespmem:v7+s2+$0x0], $0xffff  }
0x31: {  	v34 =	vld.idx.msk [tilespmem:v24+s2+$0x0], $0xffff  }
0x32: {  	v6 =	vadd.s32 $0x2710, v4;
	v35 =	vld.idx.msk [tilespmem:v10+s2+$0x0], $0xffff  }
0x33: {  	v18 =	vld.idx.msk [tilespmem:v2+s2+$0x0], $0xffff  }
0x34: {  	v9 =	vadd.s32 $0x4E20, v8;
	v19 =	vld.idx.msk [tilespmem:v5+s2+$0x0], $0xffff  }
0x35: {  	v11 =	vadd.s32 $0x2710, v8;
	v5 =	vld [tilespmem:s20+$0x10]  }
0x36: {  	v2 =	vld.idx.msk [tilespmem:v4+s2+$0x0], $0xffff  }
0x37: {  	v16 =	vadd.s32 $0x2710, v15;
	v1 =	vadd.s32 $0x4E20, v4;
	v4 =	vld.idx.msk [tilespmem:v6+s2+$0x0], $0xffff  }
0x38: {  	v25 =	vadd.s32 $0x4E20, v15;
	v6 =	vld [tilespmem:s20+$0xFFFFFF90]  }
0x39: {  	v22 =	vld.idx.msk [tilespmem:v9+s2+$0x0], $0xffff  }
0x3a: {  	v23 =	vld.idx.msk [tilespmem:v11+s2+$0x0], $0xffff  }
0x3b: {  	v11 =	vld [tilespmem:s20+$0xFFFFFFD0]  }
0x3c: {  	v8 =	vadd.s32 $0x4E20, v12;
	v30 =	vld.idx.msk [tilespmem:v16+s2+$0x0], $0xffff  }
0x3d: {  	v15 =	vadd.s32 $0x4E20, v24;
	v9 =	vadd.s32 $0x2710, v12;
	v31 =	vld.idx.msk [tilespmem:v25+s2+$0x0], $0xffff  }
0x3e: {  	v16 =	vadd.s32 $0x2710, v24;
	v24 =	vadd.s32 $0x4E20, v10;
	v25 =	vadd.s32 $0x2710, v10;
	v10 =	vld.idx.msk [tilespmem:v14+s2+$0x0], $0xffff  }
0x3f: {  	v37 =	vadd.s32 $0x4E20, v14;
	v40 =	vadd.s32 $0x2710, v14;
	v14 =	vld.idx.msk [tilespmem:v20+s2+$0x0], $0xffff  }
0x40: {  	v1 =	vld.idx.msk [tilespmem:v1+s2+$0x0], $0xffff  }
0x41: {  	v28 =	vld.idx.msk [tilespmem:v8+s2+$0x0], $0xffff  }
0x42: {  	v21 =	vsub.f32 v13, v21;
	v13 =	vld.idx.msk [tilespmem:v17+s2+$0x0], $0xffff  }
0x43: {  	v38 =	vadd.s32 $0x4E20, v20;
	v29 =	vld.idx.msk [tilespmem:v9+s2+$0x0], $0xffff  }
0x44: {  	v8 =	vadd.s32 $0x2710, v7;
	v16 =	vld.idx.msk [tilespmem:v16+s2+$0x0], $0xffff  }
0x45: {  	s22 =	simm.s32 $0xC3C0;
	v9 =	vadd.s32 $0x4E20, v7;
	v19 =	vsub.f32 v19, v23;
	v23 =	vld.idx.msk [tilespmem:v25+s2+$0x0], $0xffff  }
0x46: {  	v12 =	vadd.s32 $0x4E20, v11;
	[tilespmem:s22+$0x30] =	vst v21;
	v21 =	vld.idx.msk [tilespmem:v37+s2+$0x0], $0xffff  }
0x47: {  	v33 =	vld.idx.msk [tilespmem:v11+s2+$0x0], $0xffff;
	v11 =	vadd.s32 $0x2710, v11  }
0x48: {  	v18 =	vsub.f32 v18, v22;
	v22 =	vld.idx.msk [tilespmem:v38+s2+$0x0], $0xffff  }
0x49: {  	v8 =	vld.idx.msk [tilespmem:v8+s2+$0x0], $0xffff  }
0x4a: {  	v36 =	vadd.s32 $0x2710, v17;
	v39 =	vadd.s32 $0x4E20, v17;
	v17 =	vsub.f32 v26, v27;
	v7 =	vld.idx.msk [tilespmem:v9+s2+$0x0], $0xffff  }
0x4b: {  	v9 =	vld.idx.msk [tilespmem:v12+s2+$0x0], $0xffff  }
0x4c: {  	s24 =	simm.s32 $0xEAC0;
	[tilespmem:s22+$0x20] =	vst v17;
	v12 =	vld.idx.msk [tilespmem:v11+s2+$0x0], $0xffff  }
0x4d: {  	s21 =	simm.s32 $0x111C0;
	v26 =	vadd.s32 $0x2710, v20;
	[tilespmem:s24+$0x30] =	vst v19;
	v19 =	vsub.f32 v29, v30;
	v11 =	vld.idx.msk [tilespmem:v15+s2+$0x0], $0xffff  }
0x4e: {  	v20 =	vadd.s32 $0x4E20, v0;
	[tilespmem:s21+$0x30] =	vst v18;
	v27 =	vsub.f32 v28, v31;
	v15 =	vld.idx.msk [tilespmem:v24+s2+$0x0], $0xffff  }
0x4f: {  	v34 =	vsub.f32 v34, v35;
	v25 =	vadd.s32 $0x2710, v0;
	v17 =	vadd.s32 $0x2710, v6;
	[tilespmem:s24+$0x20] =	vst v19;
	v24 =	vld.idx.msk [tilespmem:v36+s2+$0x0], $0xffff  }
0x50: {  	s25 =	simm.s32 $0x0;
	v18 =	vadd.s32 $0x2710, v5;
	v31 =	vadd.s32 $0x2710, v3;
	v30 =	vadd.s32 $0x4E20, v5;
	[tilespmem:s21+$0x20] =	vst v27;
	v27 =	vld.idx.msk [tilespmem:v39+s2+$0x0], $0xffff  }
0x51: {  	s26 =	simm.s32 $0x11240;
	s28 =	simm.s32 $0xC440;
	s23 =	simm.s32 $0xEAC0;
	v29 =	vadd.s32 $0x4E20, v3;
	v19 =	vadd.s32 $0x4E20, v6;
	v28 =	vsub.f32 v32, v33;
	[tilespmem:s22+$0x0] =	vst v34;
	v32 =	vld.idx.msk [tilespmem:v40+s2+$0x0], $0xffff  }
.LBB2_2:
0x52: {  	s25 =	sadd.s32 $0x8, s25;
	v26 =	vld.idx.msk [tilespmem:v26+s2+$0x0], $0xffff;
	s20 =	sadd.s32 $0x100, s20;
	s24 =	sadd.s32 $0x80, s24  }
0x53: {  	p1 =	slt.u32 s25, $0x268;
	v6 =	vld.idx.msk [tilespmem:v6+s2+$0x0], $0xffff  }
0x54: {  	v33 =	vld [tilespmem:s20+$0x70]  }
0x55: {  	v25 =	vld.idx.msk [tilespmem:v25+s2+$0x0], $0xffff  }
0x56: {  	v30 =	vld.idx.msk [tilespmem:v30+s2+$0x0], $0xffff  }
0x57: {  	v20 =	vld.idx.msk [tilespmem:v20+s2+$0x0], $0xffff  }
0x58: {  	v3 =	vld.idx.msk [tilespmem:v3+s2+$0x0], $0xffff  }
0x59: {  	v31 =	vld.idx.msk [tilespmem:v31+s2+$0x0], $0xffff  }
0x5a: {  	v24 =	vsub.f32 v32, v24;
	v0 =	vld.idx.msk [tilespmem:v0+s2+$0x0], $0xffff  }
0x5b: {  	v21 =	vsub.f32 v21, v27;
	v25 =	vsub.f32 v26, v25;
	v5 =	vld.idx.msk [tilespmem:v5+s2+$0x0], $0xffff  }
0x5c: {  	v26 =	vld.idx.msk [tilespmem:v29+s2+$0x0], $0xffff  }
0x5d: {  	v16 =	vsub.f32 v16, v23;
	v18 =	vld.idx.msk [tilespmem:v18+s2+$0x0], $0xffff;
	[tilespmem:s22+$0x10] =	vst v28  }
0x5e: {  	v15 =	vsub.f32 v11, v15;
	v20 =	vsub.f32 v22, v20;
	v19 =	vld.idx.msk [tilespmem:v19+s2+$0x0], $0xffff  }
0x5f: {  	v2 =	vsub.f32 v3, v2;
	v3 =	vsub.f32 v31, v4;
	v4 =	vld.idx.msk [tilespmem:v17+s2+$0x0], $0xffff;
	[tilespmem:s23+$0x0] =	vst v16  }
0x60: {  	v8 =	vsub.f32 v8, v12;
	v16 =	vsub.f32 v14, v0;
	v11 =	vld [tilespmem:s20+$0x30]  }
0x61: {  	v0 =	vld [tilespmem:s20+$0xFFFFFFA0];
	[tilespmem:s22+$0xFFFFFFC0] =	vst v2;
	v2 =	vsub.f32 v5, v6;
	v5 =	vsub.f32 v7, v9  }
0x62: {  	v6 =	vadd.s32 $0x4E20, v33;
	v1 =	vsub.f32 v26, v1;
	v14 =	vld [tilespmem:s20+$0xFFFFFFB0];
	[tilespmem:s22+$0xFFFFFFE0] =	vst v16  }
0x63: {  	v9 =	vadd.s32 $0x2710, v33;
	v7 =	vld [tilespmem:s20+$0xFFFFFF80];
	[tilespmem:s22+$0xFFFFFFD0] =	vst v2  }
0x64: {  	v2 =	vsub.f32 v10, v13;
	v12 =	vld [tilespmem:s20+$0x50];
	[tilespmem:s23+$0xFFFFFFC0] =	vst v3  }
0x65: {  	v13 =	vsub.f32 v30, v19;
	v4 =	vsub.f32 v18, v4;
	v10 =	vld.idx.msk [tilespmem:v33+s2+$0x0], $0xffff;
	[tilespmem:s23+$0x10] =	vst v8  }
0x66: {  	v3 =	vld [tilespmem:s20+$0x0];
	[tilespmem:s21+$0x10] =	vst v5  }
0x67: {  	v8 =	vld.idx.msk [tilespmem:v6+s2+$0x0], $0xffff;
	[tilespmem:s23+$0xFFFFFFD0] =	vst v4  }
0x68: {  	v4 =	vadd.s32 $0x2710, v7;
	v6 =	vadd.s32 $0x4E20, v7;
	v9 =	vld.idx.msk [tilespmem:v9+s2+$0x0], $0xffff;
	[tilespmem:s22+$0xFFFFFFF0] =	vst v2;
	s22 =	smov.u32 s28  }
0x69: {  	v5 =	vld [tilespmem:s20+$0x10];
	[tilespmem:s23+$0xFFFFFFF0] =	vst v24  }
0x6a: {  	v16 =	vld [tilespmem:s20+$0xFFFFFFF0];
	[tilespmem:s21+$0xFFFFFFD0] =	vst v13  }
0x6b: {  	v2 =	vld.idx.msk [tilespmem:v7+s2+$0x0], $0xffff;
	[tilespmem:s21+$0xFFFFFFC0] =	vst v1  }
0x6c: {  	v22 =	vld [tilespmem:s20+$0x20];
	[tilespmem:s23+$0xFFFFFFE0] =	vst v25;
	s23 =	smov.u32 s24  }
0x6d: {  	v1 =	vld.idx.msk [tilespmem:v6+s2+$0x0], $0xffff;
	[tilespmem:s21+$0xFFFFFFE0] =	vst v20  }
0x6e: {  	v4 =	vld.idx.msk [tilespmem:v4+s2+$0x0], $0xffff;
	[tilespmem:s21+$0xFFFFFFF0] =	vst v21  }
0x6f: {  	v13 =	vld [tilespmem:s20+$0xFFFFFFC0];
	v7 =	vadd.s32 $0x2710, v16;
	v17 =	vadd.s32 $0x4E20, v16;
	[tilespmem:s21+$0x0] =	vst v15;
	s21 =	smov.u32 s26  }
0x70: {  	v15 =	vld [tilespmem:s20+$0x60]  }
0x71: {  	v18 =	vld [tilespmem:s20+$0xFFFFFFE0]  }
0x72: {  	v16 =	vld.idx.msk [tilespmem:v16+s2+$0x0], $0xffff  }
0x73: {  	v6 =	vld [tilespmem:s20+$0xFFFFFF90]  }
0x74: {  	v17 =	vld.idx.msk [tilespmem:v17+s2+$0x0], $0xffff  }
0x75: {  	v19 =	vadd.s32 $0x2710, v15;
	v20 =	vadd.s32 $0x4E20, v15;
	v7 =	vld.idx.msk [tilespmem:v7+s2+$0x0], $0xffff  }
0x76: {  	v21 =	vld [tilespmem:s20+$0xFFFFFFD0];
	v23 =	vadd.s32 $0x2710, v18;
	v24 =	vadd.s32 $0x4E20, v18  }
0x77: {  	v27 =	vld [tilespmem:s20+$0x40]  }
0x78: {  	v10 =	vsub.f32 v10, v16;
	v15 =	vld.idx.msk [tilespmem:v15+s2+$0x0], $0xffff  }
0x79: {  	v16 =	vld.idx.msk [tilespmem:v18+s2+$0x0], $0xffff  }
0x7a: {  	v28 =	vadd.s32 $0x4E20, v12;
	v18 =	vadd.s32 $0x2710, v12;
	v29 =	vld.idx.msk [tilespmem:v20+s2+$0x0], $0xffff;
	[tilespmem:s28+$0x30] =	vst v10  }
0x7b: {  	v8 =	vsub.f32 v8, v17;
	v10 =	vadd.s32 $0x2710, v21;
	v31 =	vadd.s32 $0x4E20, v21;
	v19 =	vld.idx.msk [tilespmem:v19+s2+$0x0], $0xffff  }
0x7c: {  	v7 =	vsub.f32 v9, v7;
	v32 =	vadd.s32 $0x2710, v27;
	v33 =	vadd.s32 $0x4E20, v27;
	v17 =	vld.idx.msk [tilespmem:v23+s2+$0x0], $0xffff  }
0x7d: {  	v34 =	vadd.s32 $0x4E20, v13;
	v23 =	vadd.s32 $0x2710, v13;
	v24 =	vld.idx.msk [tilespmem:v24+s2+$0x0], $0xffff  }
0x7e: {  	v35 =	vadd.s32 $0x2710, v11;
	v36 =	vadd.s32 $0x4E20, v11;
	v37 =	vld.idx.msk [tilespmem:v12+s2+$0x0], $0xffff;
	[tilespmem:s24+$0x30] =	vst v7  }
0x7f: {  	v38 =	vadd.s32 $0x2710, v14;
	v9 =	vsub.f32 v15, v16;
	v21 =	vld.idx.msk [tilespmem:v21+s2+$0x0], $0xffff;
	[tilespmem:s26+$0x30] =	vst v8  }
0x80: {  	v40 =	vadd.s32 $0x4E20, v14;
	v26 =	vadd.s32 $0x2710, v22;
	v39 =	vadd.s32 $0x4E20, v22;
	v8 =	vld.idx.msk [tilespmem:v18+s2+$0x0], $0xffff  }
0x81: {  	v25 =	vadd.s32 $0x2710, v0;
	v20 =	vadd.s32 $0x4E20, v0;
	v7 =	vld.idx.msk [tilespmem:v28+s2+$0x0], $0xffff;
	[tilespmem:s28+$0x20] =	vst v9  }
0x82: {  	v30 =	vadd.s32 $0x4E20, v5;
	v18 =	vadd.s32 $0x2710, v5;
	v12 =	vsub.f32 v19, v17;
	v9 =	vld.idx.msk [tilespmem:v31+s2+$0x0], $0xffff  }
0x83: {  	v17 =	vadd.s32 $0x2710, v6;
	v19 =	vadd.s32 $0x4E20, v6;
	v15 =	vsub.f32 v29, v24;
	v27 =	vld.idx.msk [tilespmem:v27+s2+$0x0], $0xffff  }
0x84: {  	v31 =	vadd.s32 $0x2710, v3;
	v29 =	vadd.s32 $0x4E20, v3;
	v24 =	vld.idx.msk [tilespmem:v13+s2+$0x0], $0xffff;
	[tilespmem:s24+$0x20] =	vst v12  }
0x85: {  	v28 =	vsub.f32 v37, v21;
	v12 =	vld.idx.msk [tilespmem:v10+s2+$0x0], $0xffff;
	[tilespmem:s26+$0x20] =	vst v15  }
0x86: {  	v10 =	vld.idx.msk [tilespmem:v11+s2+$0x0], $0xffff  }
0x87: {  	v11 =	vld.idx.msk [tilespmem:v33+s2+$0x0], $0xffff  }
0x88: {  	v16 =	vld.idx.msk [tilespmem:v32+s2+$0x0], $0xffff  }
0x89: {  	v15 =	vld.idx.msk [tilespmem:v34+s2+$0x0], $0xffff  }
0x8a: {  	v21 =	vsub.f32 v27, v24;
	v13 =	vld.idx.msk [tilespmem:v14+s2+$0x0], $0xffff  }
0x8b: {  	v23 =	vld.idx.msk [tilespmem:v23+s2+$0x0], $0xffff  }
0x8c: {  	v14 =	vld.idx.msk [tilespmem:v22+s2+$0x0], $0xffff;
	[tilespmem:s28+$0x0] =	vst v21  }
.Ltmp2:
0x8d: {  	v24 =	vld.idx.msk [tilespmem:v38+s2+$0x0], $0xffff;
	(pc) =	sbr.rel @p1 .LBB2_2-.Ltmp2, $4  }
0x8e: {  	v21 =	vld.idx.msk [tilespmem:v36+s2+$0x0], $0xffff  }
0x8f: {  	v22 =	vld.idx.msk [tilespmem:v39+s2+$0x0], $0xffff  }
0x90: {  	v27 =	vld.idx.msk [tilespmem:v40+s2+$0x0], $0xffff  }
0x91: {  	s26 =	sadd.s32 $0x80, s26;
	s28 =	sadd.s32 $0x80, s28;
	v32 =	vld.idx.msk [tilespmem:v35+s2+$0x0], $0xffff  }
0x92: {  	_ =	sdelay $0x3  }
0x93: {  	v26 =	vld.idx.msk [tilespmem:v26+s2+$0x0], $0xffff  }
0x94: {  	v6 =	vld.idx.msk [tilespmem:v6+s2+$0x0], $0xffff  }
0x95: {  	v25 =	vld.idx.msk [tilespmem:v25+s2+$0x0], $0xffff  }
0x96: {  	v30 =	vld.idx.msk [tilespmem:v30+s2+$0x0], $0xffff;
	v16 =	vsub.f32 v16, v23  }
0x97: {  	v3 =	vld.idx.msk [tilespmem:v3+s2+$0x0], $0xffff;
	[tilespmem:s22+$0x10] =	vst v28;
	v54 =	vsub.f32 v8, v12  }
0x98: {  	v0 =	vld.idx.msk [tilespmem:v0+s2+$0x0], $0xffff;
	v56 =	vsub.f32 v10, v13;
	[tilespmem:s23+$0x0] =	vst v16  }
0x99: {  	v5 =	vld.idx.msk [tilespmem:v5+s2+$0x0], $0xffff;
	v55 =	vsub.f32 v7, v9;
	[tilespmem:s23+$0x10] =	vst v54  }
0x9a: {  	v31 =	vld.idx.msk [tilespmem:v31+s2+$0x0], $0xffff;
	v63 =	vsub.f32 v11, v15;
	[tilespmem:s22+$0xFFFFFFF0] =	vst v56  }
0x9b: {  	v18 =	vld.idx.msk [tilespmem:v18+s2+$0x0], $0xffff;
	[tilespmem:s21+$0x10] =	vst v55;
	v57 =	vsub.f32 v32, v24  }
0x9c: {  	v50 =	vld.idx.msk [tilespmem:v17+s2+$0x0], $0xffff;
	[tilespmem:s21+$0x0] =	vst v63;
	v2 =	vsub.f32 v3, v2  }
0x9d: {  	v29 =	vld.idx.msk [tilespmem:v29+s2+$0x0], $0xffff;
	v0 =	vsub.f32 v14, v0;
	[tilespmem:s23+$0xFFFFFFF0] =	vst v57  }
0x9e: {  	v53 =	vld.idx.msk [tilespmem:v19+s2+$0x0], $0xffff;
	v52 =	vsub.f32 v5, v6;
	[tilespmem:s22+$0xFFFFFFC0] =	vst v2  }
0x9f: {  	v51 =	vld.idx.msk [tilespmem:v20+s2+$0x0], $0xffff;
	v62 =	vsub.f32 v21, v27;
	[tilespmem:s22+$0xFFFFFFE0] =	vst v0  }
0xa0: {  	v4 =	vsub.f32 v31, v4;
	[tilespmem:s22+$0xFFFFFFD0] =	vst v52  }
0xa1: {  	v3 =	vsub.f32 v18, v50;
	[tilespmem:s21+$0xFFFFFFF0] =	vst v62  }
0xa2: {  	v60 =	vsub.f32 v26, v25;
	[tilespmem:s23+$0xFFFFFFC0] =	vst v4  }
0xa3: {  	v58 =	vsub.f32 v30, v53;
	[tilespmem:s23+$0xFFFFFFD0] =	vst v3  }
0xa4: {  	v59 =	vsub.f32 v29, v1;
	[tilespmem:s23+$0xFFFFFFE0] =	vst v60  }
0xa5: {  	v61 =	vsub.f32 v22, v51;
	[tilespmem:s21+$0xFFFFFFD0] =	vst v58  }
0xa6: {  	[tilespmem:s21+$0xFFFFFFC0] =	vst v59  }
0xa7: {  	[tilespmem:s21+$0xFFFFFFE0] =	vst v61  }
0xa8: {  	[hbm4b:s5+s2] =	stream.linear.scatter [tilespmem:s16], [sflag:$0x1], $0x2700, $0x38;
	[tilespmem:$0x13880] =	vst v63  }
0xa9: {  	_ = 	snop  }
0xaa: {  	[hbm4b:s6+s2] =	stream.linear.scatter [tilespmem:s17], [sflag:$0x1], $0x2700, $0x38;
	[tilespmem:$0x13880] =	vst v63  }
0xab: {  	_ = 	snop  }
0xac: {  	[hbm4b:s7+s2] =	stream.linear.scatter [tilespmem:s18], [sflag:$0x1], $0x2700, $0x38;
	[tilespmem:$0x13880] =	vst v63  }
0xad: {  	_ =	swait.ge [sflag:s13], $0x2700  }
0xae: {  	[sflag:s13] =	ssyncset.done $0x0  }
0xaf: {  	[sflag:s13] =	ssyncadd.s32 $0xFFFFD900  }
0xb0: {  	_ =	swait.ge [sflag:s13], $0x2700  }
.Ltmp3:
0xb1: {  	[sflag:s13] =	ssyncset.done $0x0;
	(pc) =	sbr.rel @p0 .LBB2_5-.Ltmp3, $4  }
0xb2: {  	[sflag:s13] =	ssyncadd.s32 $0xFFFFD900  }
0xb3: {  	_ =	swait.ge [sflag:s13], $0x2700  }
0xb4: {  	[sflag:s13] =	ssyncset.done $0x0  }
0xb5: {  	[sflag:s13] =	ssyncadd.s32 $0xFFFFD900  }
0xb6: {  	[tilespmem:s14], [sflag:$0x2] =	stream.linear.gather [hbm4b:s8+s2], $0x100, $0x38;
	[tilespmem:$0x13880] =	vst v63  }
0xb7: {  	_ =	swait.ge [sflag:s15], $0x100  }
0xb8: {  	[sflag:s15] =	ssyncset.done $0x0  }
0xb9: {  	[sflag:s15] =	ssyncadd.s32 $0xFFFFFF00  }
0xba: {  	v0 =	vld [tilespmem:$0x7580]  }
0xbb: {  	v1 =	vld [tilespmem:$0x7600]  }
0xbc: {  	v4 =	vld [tilespmem:$0x7590]  }
0xbd: {  	v6 =	vld [tilespmem:$0x7610]  }
0xbe: {  	v12 =	vld [tilespmem:$0x75A0]  }
0xbf: {  	v13 =	vld [tilespmem:$0x7620]  }
0xc0: {  	v16 =	vld [tilespmem:$0x75B0]  }
0xc1: {  	v18 =	vld [tilespmem:$0x7630]  }
0xc2: {  	v24 =	vld [tilespmem:$0x75C0]  }
0xc3: {  	v25 =	vld [tilespmem:$0x7640]  }
0xc4: {  	v28 =	vld [tilespmem:$0x75D0]  }
0xc5: {  	v30 =	vld [tilespmem:$0x7650]  }
0xc6: {  	v36 =	vld [tilespmem:$0x75E0]  }
0xc7: {  	v55 =	vld [tilespmem:$0x7660]  }
0xc8: {  	v38 =	vld [tilespmem:$0x7670]  }
0xc9: {  	v2 =	vadd.s32 $0x2710, v0;
	v5 =	vadd.s32 $0x4E20, v0;
	v0 =	vld.idx.msk [tilespmem:v0+s2+$0x0], $0xffff  }
0xca: {  	v3 =	vadd.s32 $0x2710, v1;
	v7 =	vadd.s32 $0x4E20, v1;
	v1 =	vld.idx.msk [tilespmem:v1+s2+$0x0], $0xffff  }
0xcb: {  	v9 =	vld.idx.msk [tilespmem:v4+s2+$0x0], $0xffff  }
0xcc: {  	v11 =	vld.idx.msk [tilespmem:v6+s2+$0x0], $0xffff  }
0xcd: {  	v14 =	vadd.s32 $0x2710, v12;
	v17 =	vadd.s32 $0x4E20, v12;
	v12 =	vld.idx.msk [tilespmem:v12+s2+$0x0], $0xffff  }
0xce: {  	v15 =	vadd.s32 $0x2710, v13;
	v19 =	vadd.s32 $0x4E20, v13;
	v13 =	vld.idx.msk [tilespmem:v13+s2+$0x0], $0xffff  }
0xcf: {  	v21 =	vld.idx.msk [tilespmem:v16+s2+$0x0], $0xffff  }
0xd0: {  	v23 =	vld.idx.msk [tilespmem:v18+s2+$0x0], $0xffff  }
0xd1: {  	v26 =	vadd.s32 $0x2710, v24;
	v29 =	vadd.s32 $0x4E20, v24;
	v24 =	vld.idx.msk [tilespmem:v24+s2+$0x0], $0xffff  }
0xd2: {  	v27 =	vadd.s32 $0x2710, v25;
	v31 =	vadd.s32 $0x4E20, v25;
	v25 =	vld.idx.msk [tilespmem:v25+s2+$0x0], $0xffff  }
0xd3: {  	v33 =	vld.idx.msk [tilespmem:v28+s2+$0x0], $0xffff  }
0xd4: {  	v35 =	vld.idx.msk [tilespmem:v30+s2+$0x0], $0xffff  }
0xd5: {  	v8 =	vadd.s32 $0x2710, v4;
	v40 =	vld.idx.msk [tilespmem:v36+s2+$0x0], $0xffff  }
0xd6: {  	v10 =	vadd.s32 $0x2710, v6;
	v2 =	vld.idx.msk [tilespmem:v2+s2+$0x0], $0xffff  }
0xd7: {  	v3 =	vld.idx.msk [tilespmem:v3+s2+$0x0], $0xffff  }
0xd8: {  	v5 =	vld.idx.msk [tilespmem:v5+s2+$0x0], $0xffff  }
0xd9: {  	v7 =	vld.idx.msk [tilespmem:v7+s2+$0x0], $0xffff  }
0xda: {  	v8 =	vld.idx.msk [tilespmem:v8+s2+$0x0], $0xffff  }
0xdb: {  	v20 =	vadd.s32 $0x2710, v16;
	v10 =	vld.idx.msk [tilespmem:v10+s2+$0x0], $0xffff  }
0xdc: {  	v22 =	vadd.s32 $0x2710, v18;
	v14 =	vld.idx.msk [tilespmem:v14+s2+$0x0], $0xffff  }
0xdd: {  	v15 =	vld.idx.msk [tilespmem:v15+s2+$0x0], $0xffff  }
0xde: {  	v17 =	vld.idx.msk [tilespmem:v17+s2+$0x0], $0xffff  }
0xdf: {  	v19 =	vld.idx.msk [tilespmem:v19+s2+$0x0], $0xffff  }
0xe0: {  	v20 =	vld.idx.msk [tilespmem:v20+s2+$0x0], $0xffff  }
0xe1: {  	v32 =	vadd.s32 $0x2710, v28;
	v22 =	vld.idx.msk [tilespmem:v22+s2+$0x0], $0xffff  }
0xe2: {  	v34 =	vadd.s32 $0x2710, v30;
	v26 =	vld.idx.msk [tilespmem:v26+s2+$0x0], $0xffff  }
0xe3: {  	v27 =	vld.idx.msk [tilespmem:v27+s2+$0x0], $0xffff  }
0xe4: {  	v4 =	vadd.s32 $0x4E20, v4;
	v29 =	vld.idx.msk [tilespmem:v29+s2+$0x0], $0xffff  }
0xe5: {  	v6 =	vadd.s32 $0x4E20, v6;
	v31 =	vld.idx.msk [tilespmem:v31+s2+$0x0], $0xffff  }
0xe6: {  	v16 =	vadd.s32 $0x4E20, v16;
	v56 =	vld.idx.msk [tilespmem:v32+s2+$0x0], $0xffff  }
0xe7: {  	v18 =	vadd.s32 $0x4E20, v18;
	v58 =	vld.idx.msk [tilespmem:v34+s2+$0x0], $0xffff;
	v0 =	vsub.f32 v1, v0  }
0xe8: {  	v28 =	vadd.s32 $0x4E20, v28;
	v32 =	vld [tilespmem:$0x75F0];
	v59 =	vsub.f32 v11, v9  }
0xe9: {  	v30 =	vadd.s32 $0x4E20, v30;
	v4 =	vld.idx.msk [tilespmem:v4+s2+$0x0], $0xffff;
	v34 =	vsub.f32 v13, v12;
	[tilespmem:$0xC380] =	vst v0  }
0xea: {  	v6 =	vld.idx.msk [tilespmem:v6+s2+$0x0], $0xffff;
	v43 =	vsub.f32 v23, v21;
	[tilespmem:$0xC390] =	vst v59  }
0xeb: {  	v63 =	vadd.s32 $0x2710, v36;
	v16 =	vld.idx.msk [tilespmem:v16+s2+$0x0], $0xffff;
	v48 =	vsub.f32 v25, v24;
	[tilespmem:$0xC3A0] =	vst v34  }
0xec: {  	v41 =	vadd.s32 $0x4E20, v55;
	v18 =	vld.idx.msk [tilespmem:v18+s2+$0x0], $0xffff;
	v53 =	vsub.f32 v35, v33;
	[tilespmem:$0xC3B0] =	vst v43  }
0xed: {  	v60 =	vld.idx.msk [tilespmem:v28+s2+$0x0], $0xffff;
	v2 =	vsub.f32 v3, v2;
	[tilespmem:$0xC3C0] =	vst v48  }
0xee: {  	v47 =	vadd.s32 $0x2710, v38;
	v62 =	vld.idx.msk [tilespmem:v30+s2+$0x0], $0xffff;
	v57 =	vsub.f32 v7, v5;
	[tilespmem:$0xC3D0] =	vst v53  }
0xef: {  	v37 =	vadd.s32 $0x4E20, v36;
	v1 =	vld.idx.msk [tilespmem:v55+s2+$0x0], $0xffff;
	v61 =	vsub.f32 v10, v8;
	[tilespmem:$0xEA80] =	vst v2  }
0xf0: {  	v51 =	vadd.s32 $0x4E20, v38;
	v9 =	vld.idx.msk [tilespmem:v63+s2+$0x0], $0xffff;
	v39 =	vsub.f32 v15, v14;
	[tilespmem:$0x11180] =	vst v57  }
0xf1: {  	v30 =	vadd.s32 $0x2710, v55;
	v13 =	vld.idx.msk [tilespmem:v41+s2+$0x0], $0xffff;
	v42 =	vsub.f32 v19, v17;
	[tilespmem:$0xEA90] =	vst v61  }
0xf2: {  	v11 =	vld.idx.msk [tilespmem:v38+s2+$0x0], $0xffff;
	v44 =	vsub.f32 v22, v20;
	[tilespmem:$0xEAA0] =	vst v39  }
0xf3: {  	v55 =	vld.idx.msk [tilespmem:v47+s2+$0x0], $0xffff;
	v45 =	vadd.s32 $0x2710, v32;
	v50 =	vsub.f32 v27, v26;
	[tilespmem:$0x111A0] =	vst v42  }
0xf4: {  	v10 =	vld.idx.msk [tilespmem:v37+s2+$0x0], $0xffff;
	v49 =	vadd.s32 $0x4E20, v32;
	v52 =	vsub.f32 v31, v29;
	[tilespmem:$0xEAB0] =	vst v44  }
0xf5: {  	v54 =	vsub.f32 v58, v56;
	v59 =	vld.idx.msk [tilespmem:v51+s2+$0x0], $0xffff;
	[tilespmem:$0xEAC0] =	vst v50  }
0xf6: {  	[tilespmem:$0x111C0] =	vst v52;
	v28 =	vsub.f32 v6, v4;
	v4 =	vld.idx.msk [tilespmem:v30+s2+$0x0], $0xffff  }
0xf7: {  	[tilespmem:$0xEAD0] =	vst v54;
	v46 =	vsub.f32 v18, v16;
	v6 =	vld.idx.msk [tilespmem:v32+s2+$0x0], $0xffff  }
0xf8: {  	v56 =	vsub.f32 v62, v60;
	[tilespmem:$0x11190] =	vst v28;
	v14 =	vld.idx.msk [tilespmem:v45+s2+$0x0], $0xffff  }
0xf9: {  	v58 =	vsub.f32 v1, v40;
	[tilespmem:$0x111B0] =	vst v46;
	v57 =	vld.idx.msk [tilespmem:v49+s2+$0x0], $0xffff  }
0xfa: {  	[tilespmem:$0x111D0] =	vst v56;
	v61 =	vsub.f32 v13, v10  }
0xfb: {  	[tilespmem:$0xC3E0] =	vst v58;
	v60 =	vsub.f32 v4, v9  }
0xfc: {  	[tilespmem:$0x111E0] =	vst v61;
	v62 =	vsub.f32 v11, v6  }
0xfd: {  	[tilespmem:$0xEAE0] =	vst v60;
	v63 =	vsub.f32 v55, v14  }
0xfe: {  	[tilespmem:$0xC3F0] =	vst v62;
	v1 =	vsub.f32 v59, v57  }
0xff: {  	[tilespmem:$0xEAF0] =	vst v63  }
0x100: {  	[tilespmem:$0x111F0] =	vst v1  }
0x101: {  	[hbm4b:s9+s2] =	stream.linear.scatter [tilespmem:s16], [sflag:$0x1], $0x80, $0x38;
	[tilespmem:$0x13880] =	vst v63  }
0x102: {  	_ = 	snop  }
0x103: {  	[hbm4b:s10+s2] =	stream.linear.scatter [tilespmem:s17], [sflag:$0x1], $0x80, $0x38;
	[tilespmem:$0x13880] =	vst v63  }
0x104: {  	_ = 	snop  }
0x105: {  	[hbm4b:s11+s2] =	stream.linear.scatter [tilespmem:s18], [sflag:$0x1], $0x80, $0x38;
	[tilespmem:$0x13880] =	vst v63  }
0x106: {  	_ =	swait.ge [sflag:s13], $0x80  }
0x107: {  	[sflag:s13] =	ssyncset.done $0x0  }
0x108: {  	[sflag:s13] =	ssyncadd.s32 $0xFFFFFF80  }
0x109: {  	_ =	swait.ge [sflag:s13], $0x80  }
.Ltmp4:
0x10a: {  	[sflag:s13] =	ssyncset.done $0x0;
	(pc) =	sbr.rel .LBB2_5-.Ltmp4, $4  }
0x10b: {  	[sflag:s13] =	ssyncadd.s32 $0xFFFFFF80  }
0x10c: {  	_ =	swait.ge [sflag:s13], $0x80  }
0x10d: {  	[sflag:s13] =	ssyncset.done $0x0  }
0x10e: {  	[sflag:s13] =	ssyncadd.s32 $0xFFFFFF80  }
.LBB2_6:
0x10f: {  	_ =	sfence.sel $0x180000  }
0x110: {  	[bflag:$0x0] =	sbarrier.arrive $0xFFFF  }
0x111: {  	p0 =	sne.s32 s1, $0x0;
	_ =	strace $0x90000047  }
0x112: {  	s0 =	sadd.s32 @!p0 $0x100000, s0;
	[bflag:$0x2] =	sbarrier.arrive $0xFFFF  }
0x113: {  	[sflag:s0] =	ssyncadd.tile.s32 @!p0 $0x1;
	_ =	shalt  }
.Lfunc_end2:
_tile_overlayer_lowered:
.L_overlay_start_2:
0x114: {  	(tag) =	ssettag $0x2  }
0x115: {  	s0 =	rddreg [dreg:$0x0];
	s2 =	stileid.u32  }
0x116: {  	s1 =	rddreg [dreg:$0x1];
	p0 =	sne.s32 s2, $0x0  }
0x117: {  	s3 =	rddreg [dreg:$0x2];
	[bflag:$0x3] =	sbarrier.arrive $0xFFFF;
	s2 =	simm.s32 @!p0 $0x1C02  }
0x118: {  	[timem:s3], [sflag:s2] =	dma.local @!p0 [hbm:s0], s1  }
0x119: {  	s0 =	simm.s32 @!p0 $0x2  }
0x11a: {  	_ =	swait.ge @!p0 [sflag:s0], s1  }
0x11b: {  	s1 =	ssub.s32 @!p0 $0x0, s1;
	[sflag:s0] =	ssyncset.done @!p0 $0x0  }
0x11c: {  	[sflag:s0] =	ssyncadd.s32 @!p0 s1  }
0x11d: {  	[bflag:$0x3] =	sbarrier.arrive $0xFFFF  }
0x11e: {  	_ =	shalt  }

</sc_bundles>
